<compile_context>
chip_gen: v7x
topology: tpu7x:2x2x1
jax: 0.10.2.dev20260603
libtpu: 0.0.44.dev20260713+nightly
codegen_flags: <defaults>
</compile_context>

<pallas_src>
import functools

import jax
import jax.numpy as jnp
from jax import lax
from jax.experimental import pallas as pl
from jax.experimental.pallas import tpu as pltpu
from jax.experimental.pallas import tpu_sc as plsc

BATCH = 16384
DIM = 64
NROWS = 1000000
LANES = 16
NUM_CORES = 2
NUM_SUBCORES = 16
NUM_WORKERS = NUM_CORES * NUM_SUBCORES
BPW = BATCH // NUM_WORKERS
HALF = BPW // 2
HGROUPS = HALF // LANES


def _mf_body(uidx_hbm, iidx_hbm, uflat_hbm, iflat_hbm, ubias_hbm, ibias_hbm,
             gbias_hbm, out_hbm,
             uidx_v, iidx_v, uwidx_v, iwidx_v, udata_v, idata_v,
             ubias_v, ibias_v, gb_v, out_v, sem, bsem):
    wid = lax.axis_index("s") * NUM_CORES + lax.axis_index("c")
    base = wid * BPW

    pltpu.sync_copy(uidx_hbm.at[pl.ds(base, BPW)], uidx_v)
    pltpu.sync_copy(iidx_hbm.at[pl.ds(base, BPW)], iidx_v)
    pltpu.sync_copy(gbias_hbm, gb_v)

    bc1 = pltpu.async_copy(ubias_hbm.at[uidx_v], ubias_v, bsem)
    bc2 = pltpu.async_copy(ibias_hbm.at[iidx_v], ibias_v, bsem)

    def build(idx_v, widx_v, h):
        def per_group(g, carry):
            vec = idx_v[pl.ds(h * HALF + g * LANES, LANES)]

            def per_d(d, carry2):
                widx_v[pl.ds(d * HALF + g * LANES, LANES)] = vec + d * NROWS
                return carry2

            lax.fori_loop(0, DIM, per_d, 0, unroll=8)
            return carry

        lax.fori_loop(0, HGROUPS, per_group, 0)

    for h in range(2):
        build(uidx_v, uwidx_v, h)
        build(iidx_v, iwidx_v, h)
        cu = pltpu.async_copy(uflat_hbm.at[uwidx_v],
                              udata_v.at[pl.ds(h * DIM * HALF, DIM * HALF)],
                              sem)
        ci = pltpu.async_copy(iflat_hbm.at[iwidx_v],
                              idata_v.at[pl.ds(h * DIM * HALF, DIM * HALF)],
                              sem)
        cu.wait()
        ci.wait()
    bc1.wait()
    bc2.wait()

    gb = gb_v[pl.ds(0, LANES)]

    def group(g, carry):
        r0 = g * LANES
        h = g // HGROUPS
        r0h = r0 - h * HALF
        bias = gb + ubias_v[pl.ds(r0, LANES)] + ibias_v[pl.ds(r0, LANES)]

        def per_d(d, acc):
            off = h * DIM * HALF + d * HALF + r0h
            return acc + (udata_v[pl.ds(off, LANES)]
                          * idata_v[pl.ds(off, LANES)])

        acc = lax.fori_loop(0, DIM, per_d, bias, unroll=8)
        out_v[pl.ds(r0, LANES)] = acc
        return carry

    lax.fori_loop(0, 2 * HGROUPS, group, 0)

    pltpu.sync_copy(out_v, out_hbm.at[pl.ds(base, BPW)])


@jax.jit
def kernel(user_indices, item_indices, user_embedding, item_embedding,
           user_bias, item_bias, global_bias):
    mesh = plsc.VectorSubcoreMesh(core_axis_name="c", subcore_axis_name="s")
    run = functools.partial(
        pl.kernel,
        mesh=mesh,
        compiler_params=pltpu.CompilerParams(needs_layout_passes=False,
                                             use_tc_tiling_on_sc=False),
        out_type=jax.ShapeDtypeStruct((BATCH,), jnp.float32),
        scratch_types=[
            pltpu.VMEM((BPW,), jnp.int32),
            pltpu.VMEM((BPW,), jnp.int32),
            pltpu.VMEM((DIM * HALF,), jnp.int32),
            pltpu.VMEM((DIM * HALF,), jnp.int32),
            pltpu.VMEM((DIM * BPW,), jnp.float32),
            pltpu.VMEM((DIM * BPW,), jnp.float32),
            pltpu.VMEM((BPW,), jnp.float32),
            pltpu.VMEM((BPW,), jnp.float32),
            pltpu.VMEM((LANES,), jnp.float32),
            pltpu.VMEM((BPW,), jnp.float32),
            pltpu.SemaphoreType.DMA,
            pltpu.SemaphoreType.DMA,
        ],
    )(_mf_body)
    return run(user_indices.astype(jnp.int32), item_indices.astype(jnp.int32),
               user_embedding.T.reshape(-1), item_embedding.T.reshape(-1),
               user_bias.reshape(-1), item_bias.reshape(-1),
               jnp.broadcast_to(global_bias, (LANES,)))

# --- scband reference (transcript-rebuilt; emitter-appended) ---
"""Pipeline reference for scband-simple-mf-28243704938968 (READ-ONLY COPY).

The authoritative reference and input builder live on the scoring server;
editing this copy changes nothing except your own understanding.
"""

import jax, jax.numpy as jnp
import numpy as np

NUM_USERS = 1000000
NUM_ITEMS = 1000000
DIM = 64
BATCH = 16384


def setup_inputs(seed: int = 0) -> dict:
    key = jax.random.key(seed)
    k1, k2, k3, k4 = jax.random.split(key, 4)
    user_indices = jax.random.randint(k1, (BATCH,), 0, NUM_USERS, dtype=jnp.int64 if jax.config.jax_enable_x64 else jnp.int32)
    item_indices = jax.random.randint(k2, (BATCH,), 0, NUM_ITEMS, dtype=jnp.int64 if jax.config.jax_enable_x64 else jnp.int32)
    # xavier_normal for embeddings: std = sqrt(2 / (fan_in + fan_out)) = sqrt(2/(num+dim))
    std_u = float(np.sqrt(2.0 / (NUM_USERS + DIM)))
    std_i = float(np.sqrt(2.0 / (NUM_ITEMS + DIM)))
    user_embedding = jax.random.normal(k3, (NUM_USERS, DIM), dtype=jnp.float32) * std_u
    item_embedding = jax.random.normal(k4, (NUM_ITEMS, DIM), dtype=jnp.float32) * std_i
    user_bias = jnp.zeros((NUM_USERS, 1), dtype=jnp.float32)
    item_bias = jnp.zeros((NUM_ITEMS, 1), dtype=jnp.float32)
    global_bias = jnp.zeros((1,), dtype=jnp.float32)
    return {
        "user_indices": user_indices,
        "item_indices": item_indices,
        "user_embedding": user_embedding,
        "item_embedding": item_embedding,
        "user_bias": user_bias,
        "item_bias": item_bias,
        "global_bias": global_bias,
    }


def reference(user_indices, item_indices, user_embedding, item_embedding, user_bias, item_bias, global_bias):
    user_vec = jnp.take(user_embedding, user_indices, axis=0)  # [B, D]
    item_vec = jnp.take(item_embedding, item_indices, axis=0)  # [B, D]
    interaction = (user_vec * item_vec).sum(axis=1)            # [B]
    bias_user = jnp.take(user_bias, user_indices, axis=0).squeeze()  # [B]
    bias_item = jnp.take(item_bias, item_indices, axis=0).squeeze()  # [B]
    return interaction + bias_user + bias_item + global_bias

if __name__ == "__main__":
    import jax
    _d = setup_inputs()
    print(jax.jit(kernel)(*tuple(_d.values())))

</pallas_src>

<mosaic_0001>
#map = affine_map<(d0, d1) -> (0)>
module attributes {stable_mosaic.version = 14 : i64} {
  func.func @_mf_body(%arg0: i32, %arg1: i32, %arg2: memref<16384xi32, #tpu.memory_space<hbm>>, %arg3: memref<16384xi32, #tpu.memory_space<hbm>>, %arg4: memref<64000000xf32, #tpu.memory_space<hbm>>, %arg5: memref<64000000xf32, #tpu.memory_space<hbm>>, %arg6: memref<1000000xf32, #tpu.memory_space<hbm>>, %arg7: memref<1000000xf32, #tpu.memory_space<hbm>>, %arg8: memref<16xf32, #tpu.memory_space<hbm>>, %arg9: memref<16384xf32, #tpu.memory_space<hbm>>, %arg10: memref<512xi32, #tpu.memory_space<vmem>>, %arg11: memref<512xi32, #tpu.memory_space<vmem>>, %arg12: memref<16384xi32, #tpu.memory_space<vmem>>, %arg13: memref<16384xi32, #tpu.memory_space<vmem>>, %arg14: memref<32768xf32, #tpu.memory_space<vmem>>, %arg15: memref<32768xf32, #tpu.memory_space<vmem>>, %arg16: memref<512xf32, #tpu.memory_space<vmem>>, %arg17: memref<512xf32, #tpu.memory_space<vmem>>, %arg18: memref<16xf32, #tpu.memory_space<vmem>>, %arg19: memref<512xf32, #tpu.memory_space<vmem>>, %arg20: memref<!tpu.dma_semaphore, #tpu.memory_space<semaphore_mem>>, %arg21: memref<!tpu.dma_semaphore, #tpu.memory_space<semaphore_mem>>) attributes {dimension_semantics = [#tpu.dimension_semantics<core_parallel>, #tpu.dimension_semantics<subcore_parallel>], iteration_bounds = array<i64: 2, 16>, scalar_prefetch = 0 : i64, scratch_operands = 12 : i64, tpu.core_type = #tpu.core_type<sc_vector_subcore>, window_params = [{transform_indices = #map}, {transform_indices = #map}, {transform_indices = #map}, {transform_indices = #map}, {transform_indices = #map}, {transform_indices = #map}, {transform_indices = #map}, {transform_indices = #map}]} {
    %mul3A = arith.constant 2 : i32
    %mul3A_0 = arith.muli %arg1, %mul3A : i32
    %add3A = arith.addi %mul3A_0, %arg0 : i32
    %mul3A_1 = arith.constant 512 : i32
    %mul3A_2 = arith.muli %add3A, %mul3A_1 : i32
    "tpu.region"() ({
      %run_scoped3A = tpu.sem_alloc : memref<!tpu.dma_semaphore, #tpu.memory_space<semaphore_mem>>
      %dma_start3A_71 = tpu.memref_slice %arg2[%mul3A_2] : memref<16384xi32, #tpu.memory_space<hbm>> -> memref<512xi32, #tpu.memory_space<hbm>>
      %dma_start3A_72 = tpu.memref_slice %arg2[%mul3A_2] : memref<16384xi32, #tpu.memory_space<hbm>> -> memref<512xi32, #tpu.memory_space<hbm>>
      tpu.enqueue_dma source(%dma_start3A_72 : memref<512xi32, #tpu.memory_space<hbm>>) target(%arg10 : memref<512xi32, #tpu.memory_space<vmem>>) target_semaphore(%run_scoped3A : memref<!tpu.dma_semaphore, #tpu.memory_space<semaphore_mem>>)
      %dma_wait3A_73 = tpu.memref_slice %arg2[%mul3A_2] : memref<16384xi32, #tpu.memory_space<hbm>> -> memref<512xi32, #tpu.memory_space<hbm>>
      %dma_wait3A_74 = tpu.memref_slice %arg2[%mul3A_2] : memref<16384xi32, #tpu.memory_space<hbm>> -> memref<512xi32, #tpu.memory_space<hbm>>
      tpu.wait_dma2 semaphore(%run_scoped3A : memref<!tpu.dma_semaphore, #tpu.memory_space<semaphore_mem>>) src(%dma_wait3A_74 : memref<512xi32, #tpu.memory_space<hbm>>) dst(%arg10 : memref<512xi32, #tpu.memory_space<vmem>>)
      tpu.yield
    }) : () -> ()
    "tpu.region"() ({
      %run_scoped3A = tpu.sem_alloc : memref<!tpu.dma_semaphore, #tpu.memory_space<semaphore_mem>>
      %dma_start3A_71 = tpu.memref_slice %arg3[%mul3A_2] : memref<16384xi32, #tpu.memory_space<hbm>> -> memref<512xi32, #tpu.memory_space<hbm>>
      %dma_start3A_72 = tpu.memref_slice %arg3[%mul3A_2] : memref<16384xi32, #tpu.memory_space<hbm>> -> memref<512xi32, #tpu.memory_space<hbm>>
      tpu.enqueue_dma source(%dma_start3A_72 : memref<512xi32, #tpu.memory_space<hbm>>) target(%arg11 : memref<512xi32, #tpu.memory_space<vmem>>) target_semaphore(%run_scoped3A : memref<!tpu.dma_semaphore, #tpu.memory_space<semaphore_mem>>)
      %dma_wait3A_73 = tpu.memref_slice %arg3[%mul3A_2] : memref<16384xi32, #tpu.memory_space<hbm>> -> memref<512xi32, #tpu.memory_space<hbm>>
      %dma_wait3A_74 = tpu.memref_slice %arg3[%mul3A_2] : memref<16384xi32, #tpu.memory_space<hbm>> -> memref<512xi32, #tpu.memory_space<hbm>>
      tpu.wait_dma2 semaphore(%run_scoped3A : memref<!tpu.dma_semaphore, #tpu.memory_space<semaphore_mem>>) src(%dma_wait3A_74 : memref<512xi32, #tpu.memory_space<hbm>>) dst(%arg11 : memref<512xi32, #tpu.memory_space<vmem>>)
      tpu.yield
    }) : () -> ()
    "tpu.region"() ({
      %run_scoped3A = tpu.sem_alloc : memref<!tpu.dma_semaphore, #tpu.memory_space<semaphore_mem>>
      tpu.enqueue_dma source(%arg8 : memref<16xf32, #tpu.memory_space<hbm>>) target(%arg18 : memref<16xf32, #tpu.memory_space<vmem>>) target_semaphore(%run_scoped3A : memref<!tpu.dma_semaphore, #tpu.memory_space<semaphore_mem>>)
      tpu.wait_dma2 semaphore(%run_scoped3A : memref<!tpu.dma_semaphore, #tpu.memory_space<semaphore_mem>>) src(%arg8 : memref<16xf32, #tpu.memory_space<hbm>>) dst(%arg18 : memref<16xf32, #tpu.memory_space<vmem>>)
      tpu.yield
    }) : () -> ()
    %dma_start3A = arith.constant 0 : i32
    %dma_start3A_3 = tpu.memref_slice %arg6[%dma_start3A] : memref<1000000xf32, #tpu.memory_space<hbm>> -> memref<1000000xf32, #tpu.memory_space<hbm>>
    tpu.enqueue_indirect_dma source(%dma_start3A_3 : memref<1000000xf32, #tpu.memory_space<hbm>>) target(%arg16 : memref<512xf32, #tpu.memory_space<vmem>>) offsets(%arg10 : memref<512xi32, #tpu.memory_space<vmem>>) semaphore(%arg21 : memref<!tpu.dma_semaphore, #tpu.memory_space<semaphore_mem>>)
    %dma_start3A_4 = arith.constant 0 : i32
    %dma_start3A_5 = tpu.memref_slice %arg7[%dma_start3A_4] : memref<1000000xf32, #tpu.memory_space<hbm>> -> memref<1000000xf32, #tpu.memory_space<hbm>>
    tpu.enqueue_indirect_dma source(%dma_start3A_5 : memref<1000000xf32, #tpu.memory_space<hbm>>) target(%arg17 : memref<512xf32, #tpu.memory_space<vmem>>) offsets(%arg11 : memref<512xi32, #tpu.memory_space<vmem>>) semaphore(%arg21 : memref<!tpu.dma_semaphore, #tpu.memory_space<semaphore_mem>>)
    %scan3A = arith.constant 0 : i32
    %scan3A_6 = arith.constant 0 : i32
    %scan3A_7 = arith.constant 16 : i32
    %scan3A_8 = arith.addi %scan3A_6, %scan3A_7 : i32
    %scan3A_9 = arith.constant 1 : i32
    scf.for %scan3A_71 = %scan3A_6 to %scan3A_8 step %scan3A_9  : i32 {
      %mul3A_72 = arith.constant 16 : i32
      %mul3A_73 = arith.muli %scan3A_71, %mul3A_72 : i32
      %add3A_74 = arith.constant 0 : i32
      %add3A_75 = arith.addi %add3A_74, %mul3A_73 : i32
      %get3A_76 = arith.index_cast %add3A_75 : i32 to index
      %get3A_77 = tpu.vector_load %arg10[%get3A_76] {strides = array<i32>} : memref<512xi32, #tpu.memory_space<vmem>>, vector<16xi32>,
      %scan3A_78 = arith.constant 0 : i32
      %scan3A_79 = arith.constant 0 : i32
      %scan3A_80 = arith.constant 64 : i32
      %scan3A_81 = arith.addi %scan3A_79, %scan3A_80 : i32
      %scan3A_82 = arith.constant 8 : i32
      scf.for %scan3A_84 = %scan3A_79 to %scan3A_81 step %scan3A_82  : i32 {
        %mul3A_85 = arith.constant 1000000 : i32
        %mul3A_86 = arith.muli %scan3A_84, %mul3A_85 : i32
        %add3A_87 = vector.broadcast %mul3A_86 : i32 to vector<16xi32>
        %add3A_88 = arith.addi %get3A_77, %add3A_87 : vector<16xi32>
        %mul3A_89 = arith.constant 256 : i32
        %mul3A_90 = arith.muli %scan3A_84, %mul3A_89 : i32
        %mul3A_91 = arith.constant 16 : i32
        %mul3A_92 = arith.muli %scan3A_71, %mul3A_91 : i32
        %add3A_93 = arith.addi %mul3A_90, %mul3A_92 : i32
        %swap3A = arith.index_cast %add3A_93 : i32 to index
        %swap3A_94 = tpu.vector_load %arg12[%swap3A] {strides = array<i32>} : memref<16384xi32, #tpu.memory_space<vmem>>, vector<16xi32>,
        tpu.vector_store %arg12[%swap3A], %add3A_88 {strides = array<i32>} : memref<16384xi32, #tpu.memory_space<vmem>>, vector<16xi32>,
        %scan3A_95 = arith.constant 1 : i32
        %scan3A_96 = arith.addi %scan3A_84, %scan3A_95 : i32
        %mul3A_97 = arith.constant 1000000 : i32
        %mul3A_98 = arith.muli %scan3A_96, %mul3A_97 : i32
        %add3A_99 = vector.broadcast %mul3A_98 : i32 to vector<16xi32>
        %add3A_100 = arith.addi %get3A_77, %add3A_99 : vector<16xi32>
        %mul3A_101 = arith.constant 256 : i32
        %mul3A_102 = arith.muli %scan3A_96, %mul3A_101 : i32
        %mul3A_103 = arith.constant 16 : i32
        %mul3A_104 = arith.muli %scan3A_71, %mul3A_103 : i32
        %add3A_105 = arith.addi %mul3A_102, %mul3A_104 : i32
        %swap3A_106 = arith.index_cast %add3A_105 : i32 to index
        %swap3A_107 = tpu.vector_load %arg12[%swap3A_106] {strides = array<i32>} : memref<16384xi32, #tpu.memory_space<vmem>>, vector<16xi32>,
        tpu.vector_store %arg12[%swap3A_106], %add3A_100 {strides = array<i32>} : memref<16384xi32, #tpu.memory_space<vmem>>, vector<16xi32>,
        %scan3A_108 = arith.constant 2 : i32
        %scan3A_109 = arith.addi %scan3A_84, %scan3A_108 : i32
        %mul3A_110 = arith.constant 1000000 : i32
        %mul3A_111 = arith.muli %scan3A_109, %mul3A_110 : i32
        %add3A_112 = vector.broadcast %mul3A_111 : i32 to vector<16xi32>
        %add3A_113 = arith.addi %get3A_77, %add3A_112 : vector<16xi32>
        %mul3A_114 = arith.constant 256 : i32
        %mul3A_115 = arith.muli %scan3A_109, %mul3A_114 : i32
        %mul3A_116 = arith.constant 16 : i32
        %mul3A_117 = arith.muli %scan3A_71, %mul3A_116 : i32
        %add3A_118 = arith.addi %mul3A_115, %mul3A_117 : i32
        %swap3A_119 = arith.index_cast %add3A_118 : i32 to index
        %swap3A_120 = tpu.vector_load %arg12[%swap3A_119] {strides = array<i32>} : memref<16384xi32, #tpu.memory_space<vmem>>, vector<16xi32>,
        tpu.vector_store %arg12[%swap3A_119], %add3A_113 {strides = array<i32>} : memref<16384xi32, #tpu.memory_space<vmem>>, vector<16xi32>,
        %scan3A_121 = arith.constant 3 : i32
        %scan3A_122 = arith.addi %scan3A_84, %scan3A_121 : i32
        %mul3A_123 = arith.constant 1000000 : i32
        %mul3A_124 = arith.muli %scan3A_122, %mul3A_123 : i32
        %add3A_125 = vector.broadcast %mul3A_124 : i32 to vector<16xi32>
        %add3A_126 = arith.addi %get3A_77, %add3A_125 : vector<16xi32>
        %mul3A_127 = arith.constant 256 : i32
        %mul3A_128 = arith.muli %scan3A_122, %mul3A_127 : i32
        %mul3A_129 = arith.constant 16 : i32
        %mul3A_130 = arith.muli %scan3A_71, %mul3A_129 : i32
        %add3A_131 = arith.addi %mul3A_128, %mul3A_130 : i32
        %swap3A_132 = arith.index_cast %add3A_131 : i32 to index
        %swap3A_133 = tpu.vector_load %arg12[%swap3A_132] {strides = array<i32>} : memref<16384xi32, #tpu.memory_space<vmem>>, vector<16xi32>,
        tpu.vector_store %arg12[%swap3A_132], %add3A_126 {strides = array<i32>} : memref<16384xi32, #tpu.memory_space<vmem>>, vector<16xi32>,
        %scan3A_134 = arith.constant 4 : i32
        %scan3A_135 = arith.addi %scan3A_84, %scan3A_134 : i32
        %mul3A_136 = arith.constant 1000000 : i32
        %mul3A_137 = arith.muli %scan3A_135, %mul3A_136 : i32
        %add3A_138 = vector.broadcast %mul3A_137 : i32 to vector<16xi32>
        %add3A_139 = arith.addi %get3A_77, %add3A_138 : vector<16xi32>
        %mul3A_140 = arith.constant 256 : i32
        %mul3A_141 = arith.muli %scan3A_135, %mul3A_140 : i32
        %mul3A_142 = arith.constant 16 : i32
        %mul3A_143 = arith.muli %scan3A_71, %mul3A_142 : i32
        %add3A_144 = arith.addi %mul3A_141, %mul3A_143 : i32
        %swap3A_145 = arith.index_cast %add3A_144 : i32 to index
        %swap3A_146 = tpu.vector_load %arg12[%swap3A_145] {strides = array<i32>} : memref<16384xi32, #tpu.memory_space<vmem>>, vector<16xi32>,
        tpu.vector_store %arg12[%swap3A_145], %add3A_139 {strides = array<i32>} : memref<16384xi32, #tpu.memory_space<vmem>>, vector<16xi32>,
        %scan3A_147 = arith.constant 5 : i32
        %scan3A_148 = arith.addi %scan3A_84, %scan3A_147 : i32
        %mul3A_149 = arith.constant 1000000 : i32
        %mul3A_150 = arith.muli %scan3A_148, %mul3A_149 : i32
        %add3A_151 = vector.broadcast %mul3A_150 : i32 to vector<16xi32>
        %add3A_152 = arith.addi %get3A_77, %add3A_151 : vector<16xi32>
        %mul3A_153 = arith.constant 256 : i32
        %mul3A_154 = arith.muli %scan3A_148, %mul3A_153 : i32
        %mul3A_155 = arith.constant 16 : i32
        %mul3A_156 = arith.muli %scan3A_71, %mul3A_155 : i32
        %add3A_157 = arith.addi %mul3A_154, %mul3A_156 : i32
        %swap3A_158 = arith.index_cast %add3A_157 : i32 to index
        %swap3A_159 = tpu.vector_load %arg12[%swap3A_158] {strides = array<i32>} : memref<16384xi32, #tpu.memory_space<vmem>>, vector<16xi32>,
        tpu.vector_store %arg12[%swap3A_158], %add3A_152 {strides = array<i32>} : memref<16384xi32, #tpu.memory_space<vmem>>, vector<16xi32>,
        %scan3A_160 = arith.constant 6 : i32
        %scan3A_161 = arith.addi %scan3A_84, %scan3A_160 : i32
        %mul3A_162 = arith.constant 1000000 : i32
        %mul3A_163 = arith.muli %scan3A_161, %mul3A_162 : i32
        %add3A_164 = vector.broadcast %mul3A_163 : i32 to vector<16xi32>
        %add3A_165 = arith.addi %get3A_77, %add3A_164 : vector<16xi32>
        %mul3A_166 = arith.constant 256 : i32
        %mul3A_167 = arith.muli %scan3A_161, %mul3A_166 : i32
        %mul3A_168 = arith.constant 16 : i32
        %mul3A_169 = arith.muli %scan3A_71, %mul3A_168 : i32
        %add3A_170 = arith.addi %mul3A_167, %mul3A_169 : i32
        %swap3A_171 = arith.index_cast %add3A_170 : i32 to index
        %swap3A_172 = tpu.vector_load %arg12[%swap3A_171] {strides = array<i32>} : memref<16384xi32, #tpu.memory_space<vmem>>, vector<16xi32>,
        tpu.vector_store %arg12[%swap3A_171], %add3A_165 {strides = array<i32>} : memref<16384xi32, #tpu.memory_space<vmem>>, vector<16xi32>,
        %scan3A_173 = arith.constant 7 : i32
        %scan3A_174 = arith.addi %scan3A_84, %scan3A_173 : i32
        %mul3A_175 = arith.constant 1000000 : i32
        %mul3A_176 = arith.muli %scan3A_174, %mul3A_175 : i32
        %add3A_177 = vector.broadcast %mul3A_176 : i32 to vector<16xi32>
        %add3A_178 = arith.addi %get3A_77, %add3A_177 : vector<16xi32>
        %mul3A_179 = arith.constant 256 : i32
        %mul3A_180 = arith.muli %scan3A_174, %mul3A_179 : i32
        %mul3A_181 = arith.constant 16 : i32
        %mul3A_182 = arith.muli %scan3A_71, %mul3A_181 : i32
        %add3A_183 = arith.addi %mul3A_180, %mul3A_182 : i32
        %swap3A_184 = arith.index_cast %add3A_183 : i32 to index
        %swap3A_185 = tpu.vector_load %arg12[%swap3A_184] {strides = array<i32>} : memref<16384xi32, #tpu.memory_space<vmem>>, vector<16xi32>,
        tpu.vector_store %arg12[%swap3A_184], %add3A_178 {strides = array<i32>} : memref<16384xi32, #tpu.memory_space<vmem>>, vector<16xi32>,
      }
      %scan3A_83 = arith.constant 64 : i32
    }
    %scan3A_10 = arith.constant 16 : i32
    %scan3A_11 = arith.constant 0 : i32
    %scan3A_12 = arith.constant 0 : i32
    %scan3A_13 = arith.constant 16 : i32
    %scan3A_14 = arith.addi %scan3A_12, %scan3A_13 : i32
    %scan3A_15 = arith.constant 1 : i32
    scf.for %scan3A_71 = %scan3A_12 to %scan3A_14 step %scan3A_15  : i32 {
      %mul3A_72 = arith.constant 16 : i32
      %mul3A_73 = arith.muli %scan3A_71, %mul3A_72 : i32
      %add3A_74 = arith.constant 0 : i32
      %add3A_75 = arith.addi %add3A_74, %mul3A_73 : i32
      %get3A_76 = arith.index_cast %add3A_75 : i32 to index
      %get3A_77 = tpu.vector_load %arg11[%get3A_76] {strides = array<i32>} : memref<512xi32, #tpu.memory_space<vmem>>, vector<16xi32>,
      %scan3A_78 = arith.constant 0 : i32
      %scan3A_79 = arith.constant 0 : i32
      %scan3A_80 = arith.constant 64 : i32
      %scan3A_81 = arith.addi %scan3A_79, %scan3A_80 : i32
      %scan3A_82 = arith.constant 8 : i32
      scf.for %scan3A_84 = %scan3A_79 to %scan3A_81 step %scan3A_82  : i32 {
        %mul3A_85 = arith.constant 1000000 : i32
        %mul3A_86 = arith.muli %scan3A_84, %mul3A_85 : i32
        %add3A_87 = vector.broadcast %mul3A_86 : i32 to vector<16xi32>
        %add3A_88 = arith.addi %get3A_77, %add3A_87 : vector<16xi32>
        %mul3A_89 = arith.constant 256 : i32
        %mul3A_90 = arith.muli %scan3A_84, %mul3A_89 : i32
        %mul3A_91 = arith.constant 16 : i32
        %mul3A_92 = arith.muli %scan3A_71, %mul3A_91 : i32
        %add3A_93 = arith.addi %mul3A_90, %mul3A_92 : i32
        %swap3A = arith.index_cast %add3A_93 : i32 to index
        %swap3A_94 = tpu.vector_load %arg13[%swap3A] {strides = array<i32>} : memref<16384xi32, #tpu.memory_space<vmem>>, vector<16xi32>,
        tpu.vector_store %arg13[%swap3A], %add3A_88 {strides = array<i32>} : memref<16384xi32, #tpu.memory_space<vmem>>, vector<16xi32>,
        %scan3A_95 = arith.constant 1 : i32
        %scan3A_96 = arith.addi %scan3A_84, %scan3A_95 : i32
        %mul3A_97 = arith.constant 1000000 : i32
        %mul3A_98 = arith.muli %scan3A_96, %mul3A_97 : i32
        %add3A_99 = vector.broadcast %mul3A_98 : i32 to vector<16xi32>
        %add3A_100 = arith.addi %get3A_77, %add3A_99 : vector<16xi32>
        %mul3A_101 = arith.constant 256 : i32
        %mul3A_102 = arith.muli %scan3A_96, %mul3A_101 : i32
        %mul3A_103 = arith.constant 16 : i32
        %mul3A_104 = arith.muli %scan3A_71, %mul3A_103 : i32
        %add3A_105 = arith.addi %mul3A_102, %mul3A_104 : i32
        %swap3A_106 = arith.index_cast %add3A_105 : i32 to index
        %swap3A_107 = tpu.vector_load %arg13[%swap3A_106] {strides = array<i32>} : memref<16384xi32, #tpu.memory_space<vmem>>, vector<16xi32>,
        tpu.vector_store %arg13[%swap3A_106], %add3A_100 {strides = array<i32>} : memref<16384xi32, #tpu.memory_space<vmem>>, vector<16xi32>,
        %scan3A_108 = arith.constant 2 : i32
        %scan3A_109 = arith.addi %scan3A_84, %scan3A_108 : i32
        %mul3A_110 = arith.constant 1000000 : i32
        %mul3A_111 = arith.muli %scan3A_109, %mul3A_110 : i32
        %add3A_112 = vector.broadcast %mul3A_111 : i32 to vector<16xi32>
        %add3A_113 = arith.addi %get3A_77, %add3A_112 : vector<16xi32>
        %mul3A_114 = arith.constant 256 : i32
        %mul3A_115 = arith.muli %scan3A_109, %mul3A_114 : i32
        %mul3A_116 = arith.constant 16 : i32
        %mul3A_117 = arith.muli %scan3A_71, %mul3A_116 : i32
        %add3A_118 = arith.addi %mul3A_115, %mul3A_117 : i32
        %swap3A_119 = arith.index_cast %add3A_118 : i32 to index
        %swap3A_120 = tpu.vector_load %arg13[%swap3A_119] {strides = array<i32>} : memref<16384xi32, #tpu.memory_space<vmem>>, vector<16xi32>,
        tpu.vector_store %arg13[%swap3A_119], %add3A_113 {strides = array<i32>} : memref<16384xi32, #tpu.memory_space<vmem>>, vector<16xi32>,
        %scan3A_121 = arith.constant 3 : i32
        %scan3A_122 = arith.addi %scan3A_84, %scan3A_121 : i32
        %mul3A_123 = arith.constant 1000000 : i32
        %mul3A_124 = arith.muli %scan3A_122, %mul3A_123 : i32
        %add3A_125 = vector.broadcast %mul3A_124 : i32 to vector<16xi32>
        %add3A_126 = arith.addi %get3A_77, %add3A_125 : vector<16xi32>
        %mul3A_127 = arith.constant 256 : i32
        %mul3A_128 = arith.muli %scan3A_122, %mul3A_127 : i32
        %mul3A_129 = arith.constant 16 : i32
        %mul3A_130 = arith.muli %scan3A_71, %mul3A_129 : i32
        %add3A_131 = arith.addi %mul3A_128, %mul3A_130 : i32
        %swap3A_132 = arith.index_cast %add3A_131 : i32 to index
        %swap3A_133 = tpu.vector_load %arg13[%swap3A_132] {strides = array<i32>} : memref<16384xi32, #tpu.memory_space<vmem>>, vector<16xi32>,
        tpu.vector_store %arg13[%swap3A_132], %add3A_126 {strides = array<i32>} : memref<16384xi32, #tpu.memory_space<vmem>>, vector<16xi32>,
        %scan3A_134 = arith.constant 4 : i32
        %scan3A_135 = arith.addi %scan3A_84, %scan3A_134 : i32
        %mul3A_136 = arith.constant 1000000 : i32
        %mul3A_137 = arith.muli %scan3A_135, %mul3A_136 : i32
        %add3A_138 = vector.broadcast %mul3A_137 : i32 to vector<16xi32>
        %add3A_139 = arith.addi %get3A_77, %add3A_138 : vector<16xi32>
        %mul3A_140 = arith.constant 256 : i32
        %mul3A_141 = arith.muli %scan3A_135, %mul3A_140 : i32
        %mul3A_142 = arith.constant 16 : i32
        %mul3A_143 = arith.muli %scan3A_71, %mul3A_142 : i32
        %add3A_144 = arith.addi %mul3A_141, %mul3A_143 : i32
        %swap3A_145 = arith.index_cast %add3A_144 : i32 to index
        %swap3A_146 = tpu.vector_load %arg13[%swap3A_145] {strides = array<i32>} : memref<16384xi32, #tpu.memory_space<vmem>>, vector<16xi32>,
        tpu.vector_store %arg13[%swap3A_145], %add3A_139 {strides = array<i32>} : memref<16384xi32, #tpu.memory_space<vmem>>, vector<16xi32>,
        %scan3A_147 = arith.constant 5 : i32
        %scan3A_148 = arith.addi %scan3A_84, %scan3A_147 : i32
        %mul3A_149 = arith.constant 1000000 : i32
        %mul3A_150 = arith.muli %scan3A_148, %mul3A_149 : i32
        %add3A_151 = vector.broadcast %mul3A_150 : i32 to vector<16xi32>
        %add3A_152 = arith.addi %get3A_77, %add3A_151 : vector<16xi32>
        %mul3A_153 = arith.constant 256 : i32
        %mul3A_154 = arith.muli %scan3A_148, %mul3A_153 : i32
        %mul3A_155 = arith.constant 16 : i32
        %mul3A_156 = arith.muli %scan3A_71, %mul3A_155 : i32
        %add3A_157 = arith.addi %mul3A_154, %mul3A_156 : i32
        %swap3A_158 = arith.index_cast %add3A_157 : i32 to index
        %swap3A_159 = tpu.vector_load %arg13[%swap3A_158] {strides = array<i32>} : memref<16384xi32, #tpu.memory_space<vmem>>, vector<16xi32>,
        tpu.vector_store %arg13[%swap3A_158], %add3A_152 {strides = array<i32>} : memref<16384xi32, #tpu.memory_space<vmem>>, vector<16xi32>,
        %scan3A_160 = arith.constant 6 : i32
        %scan3A_161 = arith.addi %scan3A_84, %scan3A_160 : i32
        %mul3A_162 = arith.constant 1000000 : i32
        %mul3A_163 = arith.muli %scan3A_161, %mul3A_162 : i32
        %add3A_164 = vector.broadcast %mul3A_163 : i32 to vector<16xi32>
        %add3A_165 = arith.addi %get3A_77, %add3A_164 : vector<16xi32>
        %mul3A_166 = arith.constant 256 : i32
        %mul3A_167 = arith.muli %scan3A_161, %mul3A_166 : i32
        %mul3A_168 = arith.constant 16 : i32
        %mul3A_169 = arith.muli %scan3A_71, %mul3A_168 : i32
        %add3A_170 = arith.addi %mul3A_167, %mul3A_169 : i32
        %swap3A_171 = arith.index_cast %add3A_170 : i32 to index
        %swap3A_172 = tpu.vector_load %arg13[%swap3A_171] {strides = array<i32>} : memref<16384xi32, #tpu.memory_space<vmem>>, vector<16xi32>,
        tpu.vector_store %arg13[%swap3A_171], %add3A_165 {strides = array<i32>} : memref<16384xi32, #tpu.memory_space<vmem>>, vector<16xi32>,
        %scan3A_173 = arith.constant 7 : i32
        %scan3A_174 = arith.addi %scan3A_84, %scan3A_173 : i32
        %mul3A_175 = arith.constant 1000000 : i32
        %mul3A_176 = arith.muli %scan3A_174, %mul3A_175 : i32
        %add3A_177 = vector.broadcast %mul3A_176 : i32 to vector<16xi32>
        %add3A_178 = arith.addi %get3A_77, %add3A_177 : vector<16xi32>
        %mul3A_179 = arith.constant 256 : i32
        %mul3A_180 = arith.muli %scan3A_174, %mul3A_179 : i32
        %mul3A_181 = arith.constant 16 : i32
        %mul3A_182 = arith.muli %scan3A_71, %mul3A_181 : i32
        %add3A_183 = arith.addi %mul3A_180, %mul3A_182 : i32
        %swap3A_184 = arith.index_cast %add3A_183 : i32 to index
        %swap3A_185 = tpu.vector_load %arg13[%swap3A_184] {strides = array<i32>} : memref<16384xi32, #tpu.memory_space<vmem>>, vector<16xi32>,
        tpu.vector_store %arg13[%swap3A_184], %add3A_178 {strides = array<i32>} : memref<16384xi32, #tpu.memory_space<vmem>>, vector<16xi32>,
      }
      %scan3A_83 = arith.constant 64 : i32
    }
    %scan3A_16 = arith.constant 16 : i32
    %dma_start3A_17 = arith.constant 0 : i32
    %dma_start3A_18 = tpu.memref_slice %arg14[%dma_start3A_17] : memref<32768xf32, #tpu.memory_space<vmem>> -> memref<16384xf32, #tpu.memory_space<vmem>>
    %dma_start3A_19 = arith.constant 0 : i32
    %dma_start3A_20 = tpu.memref_slice %arg4[%dma_start3A_19] : memref<64000000xf32, #tpu.memory_space<hbm>> -> memref<64000000xf32, #tpu.memory_space<hbm>>
    tpu.enqueue_indirect_dma source(%dma_start3A_20 : memref<64000000xf32, #tpu.memory_space<hbm>>) target(%dma_start3A_18 : memref<16384xf32, #tpu.memory_space<vmem>>) offsets(%arg12 : memref<16384xi32, #tpu.memory_space<vmem>>) semaphore(%arg20 : memref<!tpu.dma_semaphore, #tpu.memory_space<semaphore_mem>>)
    %dma_start3A_21 = arith.constant 0 : i32
    %dma_start3A_22 = tpu.memref_slice %arg15[%dma_start3A_21] : memref<32768xf32, #tpu.memory_space<vmem>> -> memref<16384xf32, #tpu.memory_space<vmem>>
    %dma_start3A_23 = arith.constant 0 : i32
    %dma_start3A_24 = tpu.memref_slice %arg5[%dma_start3A_23] : memref<64000000xf32, #tpu.memory_space<hbm>> -> memref<64000000xf32, #tpu.memory_space<hbm>>
    tpu.enqueue_indirect_dma source(%dma_start3A_24 : memref<64000000xf32, #tpu.memory_space<hbm>>) target(%dma_start3A_22 : memref<16384xf32, #tpu.memory_space<vmem>>) offsets(%arg13 : memref<16384xi32, #tpu.memory_space<vmem>>) semaphore(%arg20 : memref<!tpu.dma_semaphore, #tpu.memory_space<semaphore_mem>>)
    %dma_wait3A = arith.constant 0 : i32
    %dma_wait3A_25 = tpu.memref_slice %arg14[%dma_wait3A] : memref<32768xf32, #tpu.memory_space<vmem>> -> memref<16384xf32, #tpu.memory_space<vmem>>
    %dma_wait3A_26 = arith.constant 0 : i32
    %dma_wait3A_27 = tpu.memref_slice %arg4[%dma_wait3A_26] : memref<64000000xf32, #tpu.memory_space<hbm>> -> memref<64000000xf32, #tpu.memory_space<hbm>>
    tpu.wait_indirect_dma semaphore(%arg20 : memref<!tpu.dma_semaphore, #tpu.memory_space<semaphore_mem>>) src(%dma_wait3A_27 : memref<64000000xf32, #tpu.memory_space<hbm>>) dst(%dma_wait3A_25 : memref<16384xf32, #tpu.memory_space<vmem>>)
    %dma_wait3A_28 = arith.constant 0 : i32
    %dma_wait3A_29 = tpu.memref_slice %arg15[%dma_wait3A_28] : memref<32768xf32, #tpu.memory_space<vmem>> -> memref<16384xf32, #tpu.memory_space<vmem>>
    %dma_wait3A_30 = arith.constant 0 : i32
    %dma_wait3A_31 = tpu.memref_slice %arg5[%dma_wait3A_30] : memref<64000000xf32, #tpu.memory_space<hbm>> -> memref<64000000xf32, #tpu.memory_space<hbm>>
    tpu.wait_indirect_dma semaphore(%arg20 : memref<!tpu.dma_semaphore, #tpu.memory_space<semaphore_mem>>) src(%dma_wait3A_31 : memref<64000000xf32, #tpu.memory_space<hbm>>) dst(%dma_wait3A_29 : memref<16384xf32, #tpu.memory_space<vmem>>)
    %scan3A_32 = arith.constant 0 : i32
    %scan3A_33 = arith.constant 0 : i32
    %scan3A_34 = arith.constant 16 : i32
    %scan3A_35 = arith.addi %scan3A_33, %scan3A_34 : i32
    %scan3A_36 = arith.constant 1 : i32
    scf.for %scan3A_71 = %scan3A_33 to %scan3A_35 step %scan3A_36  : i32 {
      %mul3A_72 = arith.constant 16 : i32
      %mul3A_73 = arith.muli %scan3A_71, %mul3A_72 : i32
      %add3A_74 = arith.constant 256 : i32
      %add3A_75 = arith.addi %add3A_74, %mul3A_73 : i32
      %get3A_76 = arith.index_cast %add3A_75 : i32 to index
      %get3A_77 = tpu.vector_load %arg10[%get3A_76] {strides = array<i32>} : memref<512xi32, #tpu.memory_space<vmem>>, vector<16xi32>,
      %scan3A_78 = arith.constant 0 : i32
      %scan3A_79 = arith.constant 0 : i32
      %scan3A_80 = arith.constant 64 : i32
      %scan3A_81 = arith.addi %scan3A_79, %scan3A_80 : i32
      %scan3A_82 = arith.constant 8 : i32
      scf.for %scan3A_84 = %scan3A_79 to %scan3A_81 step %scan3A_82  : i32 {
        %mul3A_85 = arith.constant 1000000 : i32
        %mul3A_86 = arith.muli %scan3A_84, %mul3A_85 : i32
        %add3A_87 = vector.broadcast %mul3A_86 : i32 to vector<16xi32>
        %add3A_88 = arith.addi %get3A_77, %add3A_87 : vector<16xi32>
        %mul3A_89 = arith.constant 256 : i32
        %mul3A_90 = arith.muli %scan3A_84, %mul3A_89 : i32
        %mul3A_91 = arith.constant 16 : i32
        %mul3A_92 = arith.muli %scan3A_71, %mul3A_91 : i32
        %add3A_93 = arith.addi %mul3A_90, %mul3A_92 : i32
        %swap3A = arith.index_cast %add3A_93 : i32 to index
        %swap3A_94 = tpu.vector_load %arg12[%swap3A] {strides = array<i32>} : memref<16384xi32, #tpu.memory_space<vmem>>, vector<16xi32>,
        tpu.vector_store %arg12[%swap3A], %add3A_88 {strides = array<i32>} : memref<16384xi32, #tpu.memory_space<vmem>>, vector<16xi32>,
        %scan3A_95 = arith.constant 1 : i32
        %scan3A_96 = arith.addi %scan3A_84, %scan3A_95 : i32
        %mul3A_97 = arith.constant 1000000 : i32
        %mul3A_98 = arith.muli %scan3A_96, %mul3A_97 : i32
        %add3A_99 = vector.broadcast %mul3A_98 : i32 to vector<16xi32>
        %add3A_100 = arith.addi %get3A_77, %add3A_99 : vector<16xi32>
        %mul3A_101 = arith.constant 256 : i32
        %mul3A_102 = arith.muli %scan3A_96, %mul3A_101 : i32
        %mul3A_103 = arith.constant 16 : i32
        %mul3A_104 = arith.muli %scan3A_71, %mul3A_103 : i32
        %add3A_105 = arith.addi %mul3A_102, %mul3A_104 : i32
        %swap3A_106 = arith.index_cast %add3A_105 : i32 to index
        %swap3A_107 = tpu.vector_load %arg12[%swap3A_106] {strides = array<i32>} : memref<16384xi32, #tpu.memory_space<vmem>>, vector<16xi32>,
        tpu.vector_store %arg12[%swap3A_106], %add3A_100 {strides = array<i32>} : memref<16384xi32, #tpu.memory_space<vmem>>, vector<16xi32>,
        %scan3A_108 = arith.constant 2 : i32
        %scan3A_109 = arith.addi %scan3A_84, %scan3A_108 : i32
        %mul3A_110 = arith.constant 1000000 : i32
        %mul3A_111 = arith.muli %scan3A_109, %mul3A_110 : i32
        %add3A_112 = vector.broadcast %mul3A_111 : i32 to vector<16xi32>
        %add3A_113 = arith.addi %get3A_77, %add3A_112 : vector<16xi32>
        %mul3A_114 = arith.constant 256 : i32
        %mul3A_115 = arith.muli %scan3A_109, %mul3A_114 : i32
        %mul3A_116 = arith.constant 16 : i32
        %mul3A_117 = arith.muli %scan3A_71, %mul3A_116 : i32
        %add3A_118 = arith.addi %mul3A_115, %mul3A_117 : i32
        %swap3A_119 = arith.index_cast %add3A_118 : i32 to index
        %swap3A_120 = tpu.vector_load %arg12[%swap3A_119] {strides = array<i32>} : memref<16384xi32, #tpu.memory_space<vmem>>, vector<16xi32>,
        tpu.vector_store %arg12[%swap3A_119], %add3A_113 {strides = array<i32>} : memref<16384xi32, #tpu.memory_space<vmem>>, vector<16xi32>,
        %scan3A_121 = arith.constant 3 : i32
        %scan3A_122 = arith.addi %scan3A_84, %scan3A_121 : i32
        %mul3A_123 = arith.constant 1000000 : i32
        %mul3A_124 = arith.muli %scan3A_122, %mul3A_123 : i32
        %add3A_125 = vector.broadcast %mul3A_124 : i32 to vector<16xi32>
        %add3A_126 = arith.addi %get3A_77, %add3A_125 : vector<16xi32>
        %mul3A_127 = arith.constant 256 : i32
        %mul3A_128 = arith.muli %scan3A_122, %mul3A_127 : i32
        %mul3A_129 = arith.constant 16 : i32
        %mul3A_130 = arith.muli %scan3A_71, %mul3A_129 : i32
        %add3A_131 = arith.addi %mul3A_128, %mul3A_130 : i32
        %swap3A_132 = arith.index_cast %add3A_131 : i32 to index
        %swap3A_133 = tpu.vector_load %arg12[%swap3A_132] {strides = array<i32>} : memref<16384xi32, #tpu.memory_space<vmem>>, vector<16xi32>,
        tpu.vector_store %arg12[%swap3A_132], %add3A_126 {strides = array<i32>} : memref<16384xi32, #tpu.memory_space<vmem>>, vector<16xi32>,
        %scan3A_134 = arith.constant 4 : i32
        %scan3A_135 = arith.addi %scan3A_84, %scan3A_134 : i32
        %mul3A_136 = arith.constant 1000000 : i32
        %mul3A_137 = arith.muli %scan3A_135, %mul3A_136 : i32
        %add3A_138 = vector.broadcast %mul3A_137 : i32 to vector<16xi32>
        %add3A_139 = arith.addi %get3A_77, %add3A_138 : vector<16xi32>
        %mul3A_140 = arith.constant 256 : i32
        %mul3A_141 = arith.muli %scan3A_135, %mul3A_140 : i32
        %mul3A_142 = arith.constant 16 : i32
        %mul3A_143 = arith.muli %scan3A_71, %mul3A_142 : i32
        %add3A_144 = arith.addi %mul3A_141, %mul3A_143 : i32
        %swap3A_145 = arith.index_cast %add3A_144 : i32 to index
        %swap3A_146 = tpu.vector_load %arg12[%swap3A_145] {strides = array<i32>} : memref<16384xi32, #tpu.memory_space<vmem>>, vector<16xi32>,
        tpu.vector_store %arg12[%swap3A_145], %add3A_139 {strides = array<i32>} : memref<16384xi32, #tpu.memory_space<vmem>>, vector<16xi32>,
        %scan3A_147 = arith.constant 5 : i32
        %scan3A_148 = arith.addi %scan3A_84, %scan3A_147 : i32
        %mul3A_149 = arith.constant 1000000 : i32
        %mul3A_150 = arith.muli %scan3A_148, %mul3A_149 : i32
        %add3A_151 = vector.broadcast %mul3A_150 : i32 to vector<16xi32>
        %add3A_152 = arith.addi %get3A_77, %add3A_151 : vector<16xi32>
        %mul3A_153 = arith.constant 256 : i32
        %mul3A_154 = arith.muli %scan3A_148, %mul3A_153 : i32
        %mul3A_155 = arith.constant 16 : i32
        %mul3A_156 = arith.muli %scan3A_71, %mul3A_155 : i32
        %add3A_157 = arith.addi %mul3A_154, %mul3A_156 : i32
        %swap3A_158 = arith.index_cast %add3A_157 : i32 to index
        %swap3A_159 = tpu.vector_load %arg12[%swap3A_158] {strides = array<i32>} : memref<16384xi32, #tpu.memory_space<vmem>>, vector<16xi32>,
        tpu.vector_store %arg12[%swap3A_158], %add3A_152 {strides = array<i32>} : memref<16384xi32, #tpu.memory_space<vmem>>, vector<16xi32>,
        %scan3A_160 = arith.constant 6 : i32
        %scan3A_161 = arith.addi %scan3A_84, %scan3A_160 : i32
        %mul3A_162 = arith.constant 1000000 : i32
        %mul3A_163 = arith.muli %scan3A_161, %mul3A_162 : i32
        %add3A_164 = vector.broadcast %mul3A_163 : i32 to vector<16xi32>
        %add3A_165 = arith.addi %get3A_77, %add3A_164 : vector<16xi32>
        %mul3A_166 = arith.constant 256 : i32
        %mul3A_167 = arith.muli %scan3A_161, %mul3A_166 : i32
        %mul3A_168 = arith.constant 16 : i32
        %mul3A_169 = arith.muli %scan3A_71, %mul3A_168 : i32
        %add3A_170 = arith.addi %mul3A_167, %mul3A_169 : i32
        %swap3A_171 = arith.index_cast %add3A_170 : i32 to index
        %swap3A_172 = tpu.vector_load %arg12[%swap3A_171] {strides = array<i32>} : memref<16384xi32, #tpu.memory_space<vmem>>, vector<16xi32>,
        tpu.vector_store %arg12[%swap3A_171], %add3A_165 {strides = array<i32>} : memref<16384xi32, #tpu.memory_space<vmem>>, vector<16xi32>,
        %scan3A_173 = arith.constant 7 : i32
        %scan3A_174 = arith.addi %scan3A_84, %scan3A_173 : i32
        %mul3A_175 = arith.constant 1000000 : i32
        %mul3A_176 = arith.muli %scan3A_174, %mul3A_175 : i32
        %add3A_177 = vector.broadcast %mul3A_176 : i32 to vector<16xi32>
        %add3A_178 = arith.addi %get3A_77, %add3A_177 : vector<16xi32>
        %mul3A_179 = arith.constant 256 : i32
        %mul3A_180 = arith.muli %scan3A_174, %mul3A_179 : i32
        %mul3A_181 = arith.constant 16 : i32
        %mul3A_182 = arith.muli %scan3A_71, %mul3A_181 : i32
        %add3A_183 = arith.addi %mul3A_180, %mul3A_182 : i32
        %swap3A_184 = arith.index_cast %add3A_183 : i32 to index
        %swap3A_185 = tpu.vector_load %arg12[%swap3A_184] {strides = array<i32>} : memref<16384xi32, #tpu.memory_space<vmem>>, vector<16xi32>,
        tpu.vector_store %arg12[%swap3A_184], %add3A_178 {strides = array<i32>} : memref<16384xi32, #tpu.memory_space<vmem>>, vector<16xi32>,
      }
      %scan3A_83 = arith.constant 64 : i32
    }
    %scan3A_37 = arith.constant 16 : i32
    %scan3A_38 = arith.constant 0 : i32
    %scan3A_39 = arith.constant 0 : i32
    %scan3A_40 = arith.constant 16 : i32
    %scan3A_41 = arith.addi %scan3A_39, %scan3A_40 : i32
    %scan3A_42 = arith.constant 1 : i32
    scf.for %scan3A_71 = %scan3A_39 to %scan3A_41 step %scan3A_42  : i32 {
      %mul3A_72 = arith.constant 16 : i32
      %mul3A_73 = arith.muli %scan3A_71, %mul3A_72 : i32
      %add3A_74 = arith.constant 256 : i32
      %add3A_75 = arith.addi %add3A_74, %mul3A_73 : i32
      %get3A_76 = arith.index_cast %add3A_75 : i32 to index
      %get3A_77 = tpu.vector_load %arg11[%get3A_76] {strides = array<i32>} : memref<512xi32, #tpu.memory_space<vmem>>, vector<16xi32>,
      %scan3A_78 = arith.constant 0 : i32
      %scan3A_79 = arith.constant 0 : i32
      %scan3A_80 = arith.constant 64 : i32
      %scan3A_81 = arith.addi %scan3A_79, %scan3A_80 : i32
      %scan3A_82 = arith.constant 8 : i32
      scf.for %scan3A_84 = %scan3A_79 to %scan3A_81 step %scan3A_82  : i32 {
        %mul3A_85 = arith.constant 1000000 : i32
        %mul3A_86 = arith.muli %scan3A_84, %mul3A_85 : i32
        %add3A_87 = vector.broadcast %mul3A_86 : i32 to vector<16xi32>
        %add3A_88 = arith.addi %get3A_77, %add3A_87 : vector<16xi32>
        %mul3A_89 = arith.constant 256 : i32
        %mul3A_90 = arith.muli %scan3A_84, %mul3A_89 : i32
        %mul3A_91 = arith.constant 16 : i32
        %mul3A_92 = arith.muli %scan3A_71, %mul3A_91 : i32
        %add3A_93 = arith.addi %mul3A_90, %mul3A_92 : i32
        %swap3A = arith.index_cast %add3A_93 : i32 to index
        %swap3A_94 = tpu.vector_load %arg13[%swap3A] {strides = array<i32>} : memref<16384xi32, #tpu.memory_space<vmem>>, vector<16xi32>,
        tpu.vector_store %arg13[%swap3A], %add3A_88 {strides = array<i32>} : memref<16384xi32, #tpu.memory_space<vmem>>, vector<16xi32>,
        %scan3A_95 = arith.constant 1 : i32
        %scan3A_96 = arith.addi %scan3A_84, %scan3A_95 : i32
        %mul3A_97 = arith.constant 1000000 : i32
        %mul3A_98 = arith.muli %scan3A_96, %mul3A_97 : i32
        %add3A_99 = vector.broadcast %mul3A_98 : i32 to vector<16xi32>
        %add3A_100 = arith.addi %get3A_77, %add3A_99 : vector<16xi32>
        %mul3A_101 = arith.constant 256 : i32
        %mul3A_102 = arith.muli %scan3A_96, %mul3A_101 : i32
        %mul3A_103 = arith.constant 16 : i32
        %mul3A_104 = arith.muli %scan3A_71, %mul3A_103 : i32
        %add3A_105 = arith.addi %mul3A_102, %mul3A_104 : i32
        %swap3A_106 = arith.index_cast %add3A_105 : i32 to index
        %swap3A_107 = tpu.vector_load %arg13[%swap3A_106] {strides = array<i32>} : memref<16384xi32, #tpu.memory_space<vmem>>, vector<16xi32>,
        tpu.vector_store %arg13[%swap3A_106], %add3A_100 {strides = array<i32>} : memref<16384xi32, #tpu.memory_space<vmem>>, vector<16xi32>,
        %scan3A_108 = arith.constant 2 : i32
        %scan3A_109 = arith.addi %scan3A_84, %scan3A_108 : i32
        %mul3A_110 = arith.constant 1000000 : i32
        %mul3A_111 = arith.muli %scan3A_109, %mul3A_110 : i32
        %add3A_112 = vector.broadcast %mul3A_111 : i32 to vector<16xi32>
        %add3A_113 = arith.addi %get3A_77, %add3A_112 : vector<16xi32>
        %mul3A_114 = arith.constant 256 : i32
        %mul3A_115 = arith.muli %scan3A_109, %mul3A_114 : i32
        %mul3A_116 = arith.constant 16 : i32
        %mul3A_117 = arith.muli %scan3A_71, %mul3A_116 : i32
        %add3A_118 = arith.addi %mul3A_115, %mul3A_117 : i32
        %swap3A_119 = arith.index_cast %add3A_118 : i32 to index
        %swap3A_120 = tpu.vector_load %arg13[%swap3A_119] {strides = array<i32>} : memref<16384xi32, #tpu.memory_space<vmem>>, vector<16xi32>,
        tpu.vector_store %arg13[%swap3A_119], %add3A_113 {strides = array<i32>} : memref<16384xi32, #tpu.memory_space<vmem>>, vector<16xi32>,
        %scan3A_121 = arith.constant 3 : i32
        %scan3A_122 = arith.addi %scan3A_84, %scan3A_121 : i32
        %mul3A_123 = arith.constant 1000000 : i32
        %mul3A_124 = arith.muli %scan3A_122, %mul3A_123 : i32
        %add3A_125 = vector.broadcast %mul3A_124 : i32 to vector<16xi32>
        %add3A_126 = arith.addi %get3A_77, %add3A_125 : vector<16xi32>
        %mul3A_127 = arith.constant 256 : i32
        %mul3A_128 = arith.muli %scan3A_122, %mul3A_127 : i32
        %mul3A_129 = arith.constant 16 : i32
        %mul3A_130 = arith.muli %scan3A_71, %mul3A_129 : i32
        %add3A_131 = arith.addi %mul3A_128, %mul3A_130 : i32
        %swap3A_132 = arith.index_cast %add3A_131 : i32 to index
        %swap3A_133 = tpu.vector_load %arg13[%swap3A_132] {strides = array<i32>} : memref<16384xi32, #tpu.memory_space<vmem>>, vector<16xi32>,
        tpu.vector_store %arg13[%swap3A_132], %add3A_126 {strides = array<i32>} : memref<16384xi32, #tpu.memory_space<vmem>>, vector<16xi32>,
        %scan3A_134 = arith.constant 4 : i32
        %scan3A_135 = arith.addi %scan3A_84, %scan3A_134 : i32
        %mul3A_136 = arith.constant 1000000 : i32
        %mul3A_137 = arith.muli %scan3A_135, %mul3A_136 : i32
        %add3A_138 = vector.broadcast %mul3A_137 : i32 to vector<16xi32>
        %add3A_139 = arith.addi %get3A_77, %add3A_138 : vector<16xi32>
        %mul3A_140 = arith.constant 256 : i32
        %mul3A_141 = arith.muli %scan3A_135, %mul3A_140 : i32
        %mul3A_142 = arith.constant 16 : i32
        %mul3A_143 = arith.muli %scan3A_71, %mul3A_142 : i32
        %add3A_144 = arith.addi %mul3A_141, %mul3A_143 : i32
        %swap3A_145 = arith.index_cast %add3A_144 : i32 to index
        %swap3A_146 = tpu.vector_load %arg13[%swap3A_145] {strides = array<i32>} : memref<16384xi32, #tpu.memory_space<vmem>>, vector<16xi32>,
        tpu.vector_store %arg13[%swap3A_145], %add3A_139 {strides = array<i32>} : memref<16384xi32, #tpu.memory_space<vmem>>, vector<16xi32>,
        %scan3A_147 = arith.constant 5 : i32
        %scan3A_148 = arith.addi %scan3A_84, %scan3A_147 : i32
        %mul3A_149 = arith.constant 1000000 : i32
        %mul3A_150 = arith.muli %scan3A_148, %mul3A_149 : i32
        %add3A_151 = vector.broadcast %mul3A_150 : i32 to vector<16xi32>
        %add3A_152 = arith.addi %get3A_77, %add3A_151 : vector<16xi32>
        %mul3A_153 = arith.constant 256 : i32
        %mul3A_154 = arith.muli %scan3A_148, %mul3A_153 : i32
        %mul3A_155 = arith.constant 16 : i32
        %mul3A_156 = arith.muli %scan3A_71, %mul3A_155 : i32
        %add3A_157 = arith.addi %mul3A_154, %mul3A_156 : i32
        %swap3A_158 = arith.index_cast %add3A_157 : i32 to index
        %swap3A_159 = tpu.vector_load %arg13[%swap3A_158] {strides = array<i32>} : memref<16384xi32, #tpu.memory_space<vmem>>, vector<16xi32>,
        tpu.vector_store %arg13[%swap3A_158], %add3A_152 {strides = array<i32>} : memref<16384xi32, #tpu.memory_space<vmem>>, vector<16xi32>,
        %scan3A_160 = arith.constant 6 : i32
        %scan3A_161 = arith.addi %scan3A_84, %scan3A_160 : i32
        %mul3A_162 = arith.constant 1000000 : i32
        %mul3A_163 = arith.muli %scan3A_161, %mul3A_162 : i32
        %add3A_164 = vector.broadcast %mul3A_163 : i32 to vector<16xi32>
        %add3A_165 = arith.addi %get3A_77, %add3A_164 : vector<16xi32>
        %mul3A_166 = arith.constant 256 : i32
        %mul3A_167 = arith.muli %scan3A_161, %mul3A_166 : i32
        %mul3A_168 = arith.constant 16 : i32
        %mul3A_169 = arith.muli %scan3A_71, %mul3A_168 : i32
        %add3A_170 = arith.addi %mul3A_167, %mul3A_169 : i32
        %swap3A_171 = arith.index_cast %add3A_170 : i32 to index
        %swap3A_172 = tpu.vector_load %arg13[%swap3A_171] {strides = array<i32>} : memref<16384xi32, #tpu.memory_space<vmem>>, vector<16xi32>,
        tpu.vector_store %arg13[%swap3A_171], %add3A_165 {strides = array<i32>} : memref<16384xi32, #tpu.memory_space<vmem>>, vector<16xi32>,
        %scan3A_173 = arith.constant 7 : i32
        %scan3A_174 = arith.addi %scan3A_84, %scan3A_173 : i32
        %mul3A_175 = arith.constant 1000000 : i32
        %mul3A_176 = arith.muli %scan3A_174, %mul3A_175 : i32
        %add3A_177 = vector.broadcast %mul3A_176 : i32 to vector<16xi32>
        %add3A_178 = arith.addi %get3A_77, %add3A_177 : vector<16xi32>
        %mul3A_179 = arith.constant 256 : i32
        %mul3A_180 = arith.muli %scan3A_174, %mul3A_179 : i32
        %mul3A_181 = arith.constant 16 : i32
        %mul3A_182 = arith.muli %scan3A_71, %mul3A_181 : i32
        %add3A_183 = arith.addi %mul3A_180, %mul3A_182 : i32
        %swap3A_184 = arith.index_cast %add3A_183 : i32 to index
        %swap3A_185 = tpu.vector_load %arg13[%swap3A_184] {strides = array<i32>} : memref<16384xi32, #tpu.memory_space<vmem>>, vector<16xi32>,
        tpu.vector_store %arg13[%swap3A_184], %add3A_178 {strides = array<i32>} : memref<16384xi32, #tpu.memory_space<vmem>>, vector<16xi32>,
      }
      %scan3A_83 = arith.constant 64 : i32
    }
    %scan3A_43 = arith.constant 16 : i32
    %dma_start3A_44 = arith.constant 16384 : i32
    %dma_start3A_45 = tpu.memref_slice %arg14[%dma_start3A_44] : memref<32768xf32, #tpu.memory_space<vmem>> -> memref<16384xf32, #tpu.memory_space<vmem>>
    %dma_start3A_46 = arith.constant 0 : i32
    %dma_start3A_47 = tpu.memref_slice %arg4[%dma_start3A_46] : memref<64000000xf32, #tpu.memory_space<hbm>> -> memref<64000000xf32, #tpu.memory_space<hbm>>
    tpu.enqueue_indirect_dma source(%dma_start3A_47 : memref<64000000xf32, #tpu.memory_space<hbm>>) target(%dma_start3A_45 : memref<16384xf32, #tpu.memory_space<vmem>>) offsets(%arg12 : memref<16384xi32, #tpu.memory_space<vmem>>) semaphore(%arg20 : memref<!tpu.dma_semaphore, #tpu.memory_space<semaphore_mem>>)
    %dma_start3A_48 = arith.constant 16384 : i32
    %dma_start3A_49 = tpu.memref_slice %arg15[%dma_start3A_48] : memref<32768xf32, #tpu.memory_space<vmem>> -> memref<16384xf32, #tpu.memory_space<vmem>>
    %dma_start3A_50 = arith.constant 0 : i32
    %dma_start3A_51 = tpu.memref_slice %arg5[%dma_start3A_50] : memref<64000000xf32, #tpu.memory_space<hbm>> -> memref<64000000xf32, #tpu.memory_space<hbm>>
    tpu.enqueue_indirect_dma source(%dma_start3A_51 : memref<64000000xf32, #tpu.memory_space<hbm>>) target(%dma_start3A_49 : memref<16384xf32, #tpu.memory_space<vmem>>) offsets(%arg13 : memref<16384xi32, #tpu.memory_space<vmem>>) semaphore(%arg20 : memref<!tpu.dma_semaphore, #tpu.memory_space<semaphore_mem>>)
    %dma_wait3A_52 = arith.constant 16384 : i32
    %dma_wait3A_53 = tpu.memref_slice %arg14[%dma_wait3A_52] : memref<32768xf32, #tpu.memory_space<vmem>> -> memref<16384xf32, #tpu.memory_space<vmem>>
    %dma_wait3A_54 = arith.constant 0 : i32
    %dma_wait3A_55 = tpu.memref_slice %arg4[%dma_wait3A_54] : memref<64000000xf32, #tpu.memory_space<hbm>> -> memref<64000000xf32, #tpu.memory_space<hbm>>
    tpu.wait_indirect_dma semaphore(%arg20 : memref<!tpu.dma_semaphore, #tpu.memory_space<semaphore_mem>>) src(%dma_wait3A_55 : memref<64000000xf32, #tpu.memory_space<hbm>>) dst(%dma_wait3A_53 : memref<16384xf32, #tpu.memory_space<vmem>>)
    %dma_wait3A_56 = arith.constant 16384 : i32
    %dma_wait3A_57 = tpu.memref_slice %arg15[%dma_wait3A_56] : memref<32768xf32, #tpu.memory_space<vmem>> -> memref<16384xf32, #tpu.memory_space<vmem>>
    %dma_wait3A_58 = arith.constant 0 : i32
    %dma_wait3A_59 = tpu.memref_slice %arg5[%dma_wait3A_58] : memref<64000000xf32, #tpu.memory_space<hbm>> -> memref<64000000xf32, #tpu.memory_space<hbm>>
    tpu.wait_indirect_dma semaphore(%arg20 : memref<!tpu.dma_semaphore, #tpu.memory_space<semaphore_mem>>) src(%dma_wait3A_59 : memref<64000000xf32, #tpu.memory_space<hbm>>) dst(%dma_wait3A_57 : memref<16384xf32, #tpu.memory_space<vmem>>)
    %dma_wait3A_60 = arith.constant 0 : i32
    %dma_wait3A_61 = tpu.memref_slice %arg6[%dma_wait3A_60] : memref<1000000xf32, #tpu.memory_space<hbm>> -> memref<1000000xf32, #tpu.memory_space<hbm>>
    tpu.wait_indirect_dma semaphore(%arg21 : memref<!tpu.dma_semaphore, #tpu.memory_space<semaphore_mem>>) src(%dma_wait3A_61 : memref<1000000xf32, #tpu.memory_space<hbm>>) dst(%arg16 : memref<512xf32, #tpu.memory_space<vmem>>)
    %dma_wait3A_62 = arith.constant 0 : i32
    %dma_wait3A_63 = tpu.memref_slice %arg7[%dma_wait3A_62] : memref<1000000xf32, #tpu.memory_space<hbm>> -> memref<1000000xf32, #tpu.memory_space<hbm>>
    tpu.wait_indirect_dma semaphore(%arg21 : memref<!tpu.dma_semaphore, #tpu.memory_space<semaphore_mem>>) src(%dma_wait3A_63 : memref<1000000xf32, #tpu.memory_space<hbm>>) dst(%arg17 : memref<512xf32, #tpu.memory_space<vmem>>)
    %get3A = arith.constant 0 : index
    %get3A_64 = tpu.vector_load %arg18[%get3A] {strides = array<i32>} : memref<16xf32, #tpu.memory_space<vmem>>, vector<16xf32>,
    %scan3A_65 = arith.constant 0 : i32
    %scan3A_66 = arith.constant 0 : i32
    %scan3A_67 = arith.constant 32 : i32
    %scan3A_68 = arith.addi %scan3A_66, %scan3A_67 : i32
    %scan3A_69 = arith.constant 1 : i32
    scf.for %scan3A_71 = %scan3A_66 to %scan3A_68 step %scan3A_69  : i32 {
      %mul3A_72 = arith.constant 16 : i32
      %mul3A_73 = arith.muli %scan3A_71, %mul3A_72 : i32
      %jit3A = arith.constant 16 : i32
      %div3A = arith.divsi %scan3A_71, %jit3A : i32
      %sign3A = arith.constant 0 : i32
      %sign3A_74 = arith.cmpi sgt, %scan3A_71, %sign3A : i32
      %sign3A_75 = arith.extui %sign3A_74 : i1 to i32
      %sign3A_76 = arith.constant 0 : i32
      %sign3A_77 = arith.cmpi slt, %scan3A_71, %sign3A_76 : i32
      %sign3A_78 = arith.extui %sign3A_77 : i1 to i32
      %sign3A_79 = arith.subi %sign3A_75, %sign3A_78 : i32
      %sign3A_80 = arith.constant 0 : i32
      %sign3A_81 = arith.cmpi sgt, %jit3A, %sign3A_80 : i32
      %sign3A_82 = arith.extui %sign3A_81 : i1 to i32
      %sign3A_83 = arith.constant 0 : i32
      %sign3A_84 = arith.cmpi slt, %jit3A, %sign3A_83 : i32
      %sign3A_85 = arith.extui %sign3A_84 : i1 to i32
      %sign3A_86 = arith.subi %sign3A_82, %sign3A_85 : i32
      %ne3A = arith.cmpi ne, %sign3A_79, %sign3A_86 : i32
      %rem3A = arith.remsi %scan3A_71, %jit3A : i32
      %ne3A_87 = arith.constant 0 : i32
      %ne3A_88 = arith.cmpi ne, %rem3A, %ne3A_87 : i32
      %and3A = arith.andi %ne3A, %ne3A_88 : i1
      %sub3A = arith.constant 1 : i32
      %sub3A_89 = arith.subi %div3A, %sub3A : i32
      %select_n3A = arith.select %and3A, %sub3A_89, %div3A : i32
      %mul3A_90 = arith.constant 256 : i32
      %mul3A_91 = arith.muli %select_n3A, %mul3A_90 : i32
      %sub3A_92 = arith.subi %mul3A_73, %mul3A_91 : i32
      %get3A_93 = arith.index_cast %mul3A_73 : i32 to index
      %get3A_94 = tpu.vector_load %arg16[%get3A_93] {strides = array<i32>} : memref<512xf32, #tpu.memory_space<vmem>>, vector<16xf32>,
      %add3A_95 = arith.addf %get3A_64, %get3A_94 : vector<16xf32>
      %get3A_96 = arith.index_cast %mul3A_73 : i32 to index
      %get3A_97 = tpu.vector_load %arg17[%get3A_96] {strides = array<i32>} : memref<512xf32, #tpu.memory_space<vmem>>, vector<16xf32>,
      %add3A_98 = arith.addf %add3A_95, %get3A_97 : vector<16xf32>
      %scan3A_99 = arith.constant 0 : i32
      %scan3A_100 = arith.constant 64 : i32
      %scan3A_101 = arith.addi %scan3A_99, %scan3A_100 : i32
      %scan3A_102 = arith.constant 8 : i32
      %scan3A_103 = scf.for %scan3A_106 = %scan3A_99 to %scan3A_101 step %scan3A_102 iter_args(%scan3A_107 = %add3A_98) -> (vector<16xf32>)  : i32 {
        %mul3A_108 = arith.constant 64 : i32
        %mul3A_109 = arith.muli %select_n3A, %mul3A_108 : i32
        %mul3A_110 = arith.constant 256 : i32
        %mul3A_111 = arith.muli %mul3A_109, %mul3A_110 : i32
        %mul3A_112 = arith.constant 256 : i32
        %mul3A_113 = arith.muli %scan3A_106, %mul3A_112 : i32
        %add3A_114 = arith.addi %mul3A_111, %mul3A_113 : i32
        %add3A_115 = arith.addi %add3A_114, %sub3A_92 : i32
        %get3A_116 = arith.index_cast %add3A_115 : i32 to index
        %get3A_117 = tpu.vector_load %arg14[%get3A_116] {strides = array<i32>} : memref<32768xf32, #tpu.memory_space<vmem>>, vector<16xf32>,
        %get3A_118 = arith.index_cast %add3A_115 : i32 to index
        %get3A_119 = tpu.vector_load %arg15[%get3A_118] {strides = array<i32>} : memref<32768xf32, #tpu.memory_space<vmem>>, vector<16xf32>,
        %mul3A_120 = arith.mulf %get3A_117, %get3A_119 : vector<16xf32>
        %add3A_121 = arith.addf %scan3A_107, %mul3A_120 : vector<16xf32>
        %scan3A_122 = arith.constant 1 : i32
        %scan3A_123 = arith.addi %scan3A_106, %scan3A_122 : i32
        %mul3A_124 = arith.constant 64 : i32
        %mul3A_125 = arith.muli %select_n3A, %mul3A_124 : i32
        %mul3A_126 = arith.constant 256 : i32
        %mul3A_127 = arith.muli %mul3A_125, %mul3A_126 : i32
        %mul3A_128 = arith.constant 256 : i32
        %mul3A_129 = arith.muli %scan3A_123, %mul3A_128 : i32
        %add3A_130 = arith.addi %mul3A_127, %mul3A_129 : i32
        %add3A_131 = arith.addi %add3A_130, %sub3A_92 : i32
        %get3A_132 = arith.index_cast %add3A_131 : i32 to index
        %get3A_133 = tpu.vector_load %arg14[%get3A_132] {strides = array<i32>} : memref<32768xf32, #tpu.memory_space<vmem>>, vector<16xf32>,
        %get3A_134 = arith.index_cast %add3A_131 : i32 to index
        %get3A_135 = tpu.vector_load %arg15[%get3A_134] {strides = array<i32>} : memref<32768xf32, #tpu.memory_space<vmem>>, vector<16xf32>,
        %mul3A_136 = arith.mulf %get3A_133, %get3A_135 : vector<16xf32>
        %add3A_137 = arith.addf %add3A_121, %mul3A_136 : vector<16xf32>
        %scan3A_138 = arith.constant 2 : i32
        %scan3A_139 = arith.addi %scan3A_106, %scan3A_138 : i32
        %mul3A_140 = arith.constant 64 : i32
        %mul3A_141 = arith.muli %select_n3A, %mul3A_140 : i32
        %mul3A_142 = arith.constant 256 : i32
        %mul3A_143 = arith.muli %mul3A_141, %mul3A_142 : i32
        %mul3A_144 = arith.constant 256 : i32
        %mul3A_145 = arith.muli %scan3A_139, %mul3A_144 : i32
        %add3A_146 = arith.addi %mul3A_143, %mul3A_145 : i32
        %add3A_147 = arith.addi %add3A_146, %sub3A_92 : i32
        %get3A_148 = arith.index_cast %add3A_147 : i32 to index
        %get3A_149 = tpu.vector_load %arg14[%get3A_148] {strides = array<i32>} : memref<32768xf32, #tpu.memory_space<vmem>>, vector<16xf32>,
        %get3A_150 = arith.index_cast %add3A_147 : i32 to index
        %get3A_151 = tpu.vector_load %arg15[%get3A_150] {strides = array<i32>} : memref<32768xf32, #tpu.memory_space<vmem>>, vector<16xf32>,
        %mul3A_152 = arith.mulf %get3A_149, %get3A_151 : vector<16xf32>
        %add3A_153 = arith.addf %add3A_137, %mul3A_152 : vector<16xf32>
        %scan3A_154 = arith.constant 3 : i32
        %scan3A_155 = arith.addi %scan3A_106, %scan3A_154 : i32
        %mul3A_156 = arith.constant 64 : i32
        %mul3A_157 = arith.muli %select_n3A, %mul3A_156 : i32
        %mul3A_158 = arith.constant 256 : i32
        %mul3A_159 = arith.muli %mul3A_157, %mul3A_158 : i32
        %mul3A_160 = arith.constant 256 : i32
        %mul3A_161 = arith.muli %scan3A_155, %mul3A_160 : i32
        %add3A_162 = arith.addi %mul3A_159, %mul3A_161 : i32
        %add3A_163 = arith.addi %add3A_162, %sub3A_92 : i32
        %get3A_164 = arith.index_cast %add3A_163 : i32 to index
        %get3A_165 = tpu.vector_load %arg14[%get3A_164] {strides = array<i32>} : memref<32768xf32, #tpu.memory_space<vmem>>, vector<16xf32>,
        %get3A_166 = arith.index_cast %add3A_163 : i32 to index
        %get3A_167 = tpu.vector_load %arg15[%get3A_166] {strides = array<i32>} : memref<32768xf32, #tpu.memory_space<vmem>>, vector<16xf32>,
        %mul3A_168 = arith.mulf %get3A_165, %get3A_167 : vector<16xf32>
        %add3A_169 = arith.addf %add3A_153, %mul3A_168 : vector<16xf32>
        %scan3A_170 = arith.constant 4 : i32
        %scan3A_171 = arith.addi %scan3A_106, %scan3A_170 : i32
        %mul3A_172 = arith.constant 64 : i32
        %mul3A_173 = arith.muli %select_n3A, %mul3A_172 : i32
        %mul3A_174 = arith.constant 256 : i32
        %mul3A_175 = arith.muli %mul3A_173, %mul3A_174 : i32
        %mul3A_176 = arith.constant 256 : i32
        %mul3A_177 = arith.muli %scan3A_171, %mul3A_176 : i32
        %add3A_178 = arith.addi %mul3A_175, %mul3A_177 : i32
        %add3A_179 = arith.addi %add3A_178, %sub3A_92 : i32
        %get3A_180 = arith.index_cast %add3A_179 : i32 to index
        %get3A_181 = tpu.vector_load %arg14[%get3A_180] {strides = array<i32>} : memref<32768xf32, #tpu.memory_space<vmem>>, vector<16xf32>,
        %get3A_182 = arith.index_cast %add3A_179 : i32 to index
        %get3A_183 = tpu.vector_load %arg15[%get3A_182] {strides = array<i32>} : memref<32768xf32, #tpu.memory_space<vmem>>, vector<16xf32>,
        %mul3A_184 = arith.mulf %get3A_181, %get3A_183 : vector<16xf32>
        %add3A_185 = arith.addf %add3A_169, %mul3A_184 : vector<16xf32>
        %scan3A_186 = arith.constant 5 : i32
        %scan3A_187 = arith.addi %scan3A_106, %scan3A_186 : i32
        %mul3A_188 = arith.constant 64 : i32
        %mul3A_189 = arith.muli %select_n3A, %mul3A_188 : i32
        %mul3A_190 = arith.constant 256 : i32
        %mul3A_191 = arith.muli %mul3A_189, %mul3A_190 : i32
        %mul3A_192 = arith.constant 256 : i32
        %mul3A_193 = arith.muli %scan3A_187, %mul3A_192 : i32
        %add3A_194 = arith.addi %mul3A_191, %mul3A_193 : i32
        %add3A_195 = arith.addi %add3A_194, %sub3A_92 : i32
        %get3A_196 = arith.index_cast %add3A_195 : i32 to index
        %get3A_197 = tpu.vector_load %arg14[%get3A_196] {strides = array<i32>} : memref<32768xf32, #tpu.memory_space<vmem>>, vector<16xf32>,
        %get3A_198 = arith.index_cast %add3A_195 : i32 to index
        %get3A_199 = tpu.vector_load %arg15[%get3A_198] {strides = array<i32>} : memref<32768xf32, #tpu.memory_space<vmem>>, vector<16xf32>,
        %mul3A_200 = arith.mulf %get3A_197, %get3A_199 : vector<16xf32>
        %add3A_201 = arith.addf %add3A_185, %mul3A_200 : vector<16xf32>
        %scan3A_202 = arith.constant 6 : i32
        %scan3A_203 = arith.addi %scan3A_106, %scan3A_202 : i32
        %mul3A_204 = arith.constant 64 : i32
        %mul3A_205 = arith.muli %select_n3A, %mul3A_204 : i32
        %mul3A_206 = arith.constant 256 : i32
        %mul3A_207 = arith.muli %mul3A_205, %mul3A_206 : i32
        %mul3A_208 = arith.constant 256 : i32
        %mul3A_209 = arith.muli %scan3A_203, %mul3A_208 : i32
        %add3A_210 = arith.addi %mul3A_207, %mul3A_209 : i32
        %add3A_211 = arith.addi %add3A_210, %sub3A_92 : i32
        %get3A_212 = arith.index_cast %add3A_211 : i32 to index
        %get3A_213 = tpu.vector_load %arg14[%get3A_212] {strides = array<i32>} : memref<32768xf32, #tpu.memory_space<vmem>>, vector<16xf32>,
        %get3A_214 = arith.index_cast %add3A_211 : i32 to index
        %get3A_215 = tpu.vector_load %arg15[%get3A_214] {strides = array<i32>} : memref<32768xf32, #tpu.memory_space<vmem>>, vector<16xf32>,
        %mul3A_216 = arith.mulf %get3A_213, %get3A_215 : vector<16xf32>
        %add3A_217 = arith.addf %add3A_201, %mul3A_216 : vector<16xf32>
        %scan3A_218 = arith.constant 7 : i32
        %scan3A_219 = arith.addi %scan3A_106, %scan3A_218 : i32
        %mul3A_220 = arith.constant 64 : i32
        %mul3A_221 = arith.muli %select_n3A, %mul3A_220 : i32
        %mul3A_222 = arith.constant 256 : i32
        %mul3A_223 = arith.muli %mul3A_221, %mul3A_222 : i32
        %mul3A_224 = arith.constant 256 : i32
        %mul3A_225 = arith.muli %scan3A_219, %mul3A_224 : i32
        %add3A_226 = arith.addi %mul3A_223, %mul3A_225 : i32
        %add3A_227 = arith.addi %add3A_226, %sub3A_92 : i32
        %get3A_228 = arith.index_cast %add3A_227 : i32 to index
        %get3A_229 = tpu.vector_load %arg14[%get3A_228] {strides = array<i32>} : memref<32768xf32, #tpu.memory_space<vmem>>, vector<16xf32>,
        %get3A_230 = arith.index_cast %add3A_227 : i32 to index
        %get3A_231 = tpu.vector_load %arg15[%get3A_230] {strides = array<i32>} : memref<32768xf32, #tpu.memory_space<vmem>>, vector<16xf32>,
        %mul3A_232 = arith.mulf %get3A_229, %get3A_231 : vector<16xf32>
        %add3A_233 = arith.addf %add3A_217, %mul3A_232 : vector<16xf32>
        scf.yield %add3A_233 : vector<16xf32>
      }
      %scan3A_104 = arith.constant 64 : i32
      %swap3A = arith.index_cast %mul3A_73 : i32 to index
      %swap3A_105 = tpu.vector_load %arg19[%swap3A] {strides = array<i32>} : memref<512xf32, #tpu.memory_space<vmem>>, vector<16xf32>,
      tpu.vector_store %arg19[%swap3A], %scan3A_103 {strides = array<i32>} : memref<512xf32, #tpu.memory_space<vmem>>, vector<16xf32>,
    }
    %scan3A_70 = arith.constant 32 : i32
    "tpu.region"() ({
      %run_scoped3A = tpu.sem_alloc : memref<!tpu.dma_semaphore, #tpu.memory_space<semaphore_mem>>
      %dma_start3A_71 = tpu.memref_slice %arg9[%mul3A_2] : memref<16384xf32, #tpu.memory_space<hbm>> -> memref<512xf32, #tpu.memory_space<hbm>>
      %dma_start3A_72 = tpu.memref_slice %arg9[%mul3A_2] : memref<16384xf32, #tpu.memory_space<hbm>> -> memref<512xf32, #tpu.memory_space<hbm>>
      tpu.enqueue_dma source(%arg19 : memref<512xf32, #tpu.memory_space<vmem>>) target(%dma_start3A_72 : memref<512xf32, #tpu.memory_space<hbm>>) target_semaphore(%run_scoped3A : memref<!tpu.dma_semaphore, #tpu.memory_space<semaphore_mem>>)
      %dma_wait3A_73 = tpu.memref_slice %arg9[%mul3A_2] : memref<16384xf32, #tpu.memory_space<hbm>> -> memref<512xf32, #tpu.memory_space<hbm>>
      %dma_wait3A_74 = tpu.memref_slice %arg9[%mul3A_2] : memref<16384xf32, #tpu.memory_space<hbm>> -> memref<512xf32, #tpu.memory_space<hbm>>
      tpu.wait_dma2 semaphore(%run_scoped3A : memref<!tpu.dma_semaphore, #tpu.memory_space<semaphore_mem>>) src(%arg19 : memref<512xf32, #tpu.memory_space<vmem>>) dst(%dma_wait3A_74 : memref<512xf32, #tpu.memory_space<hbm>>)
      tpu.yield
    }) : () -> ()
    return
  }
}

</mosaic_0001>

<sc_bundles>
// kernel: kernel.3.cloned.1.call-start
scs
__scs_entry_jumppad:
0x0: {  	(pc) =	sbr.rel $0x88, $3  }
0x1: {  	(tag) =	ssettag $0x0;
	lr =	simm.s32 $0x1  }
0x2: {  	[smem:$0x3F9A] =	sst lr;
	_ =	strace $0xD0000000  }
0x3: {  	_ = 	snop  }
0x4: {  	_ = 	snop  }
0x5: {  	_ = 	snop  }
0x6: {  	_ = 	snop  }
0x7: {  	_ = 	snop  }
__scs_overlays_trampoline_lowered:
0x8: {  	[smem:$0x3FA9] =	sst s0  }
0x9: {  	[smem:$0x3FAA] =	sst s1  }
0xa: {  	[smem:$0x3FAB] =	sst s2  }
0xb: {  	[smem:$0x3FAC] =	sst s3  }
0xc: {  	[smem:$0x3FAD] =	sst s4  }
0xd: {  	[smem:$0x3FAE] =	sst s5  }
0xe: {  	[smem:$0x3FAF] =	sst s6  }
0xf: {  	[smem:$0x3FB0] =	sst s7  }
0x10: {  	[smem:$0x3FB1] =	sst s8  }
0x11: {  	[smem:$0x3FB2] =	sst s9;
	s0 =	simm.s32 @!p0 $0x0  }
0x12: {  	s1 =	sld [smem:$0x3F98];
	s0 =	simm.s32 @p0 $0x1  }
0x13: {  	[smem:$0x3FB3] =	sst s0;
	s0 =	simm.s32 @!p1 $0x0  }
0x14: {  	s2 =	sld [smem:$0x3F97];
	s0 =	simm.s32 @p1 $0x1  }
0x15: {  	[smem:$0x3FB4] =	sst s0;
	s0 =	simm.s32 @!p2 $0x0  }
0x16: {  	s3 =	sld [smem:$0x3FDB];
	s0 =	simm.s32 @p2 $0x1  }
0x17: {  	s4 =	simm.s32 $0x1BF5;
	[smem:$0x3FB6] =	sst s0  }
0x18: {  	s0 =	sld [smem:$0x3F99];
	_ =	swait.ge [sflag:s4], $0x0  }
0x19: {  	s7 =	sld [smem:$0x3F9A]  }
0x1a: {  	s8 =	sadd.s32 $0xFFFFE003, lr  }
0x1b: {  	s9 =	sadd.s32 $0xFFFFFEF7, lr;
	s5 =	simm.s32 $0xFFFFFFFF;
	p2 =	slt.u32 s8, $0xFFFFF086  }
0x1c: {  	p1 =	slt.u32 s9, $0xF7A;
	s5 =	simm.s32 @!p2 $0x0  }
0x1d: {  	s5 =	simm.s32 @p1 $0x1;
	p0 =	seq.s32 s7, s2  }
0x1e: {  	s7 =	smul.u32 @!p0 $0xF7A, s2;
	p2 =	seq.s32 @!p0 s5, $0x0  }
0x1f: {  	s9 =	smul.u32 $0xF7A, s1;
	s8 =	simm.s32 @!p0 $0x1BF5;
	p2 =	por !p2, p0  }
0x20: {  	[sflag:s8] =	ssyncset.s32 @!p0 $0xFFFFF086;
	s6 =	sadd.s32 @!p0 s3, s7;
	s7 =	simm.s32 @!p0 $0x108  }
0x21: {  	s3 =	sadd.s32 s3, s9;
	s6 =	sadd.s32 @!p0 $0x88, s6;
	s7 =	simm.s32 @p2 $0x1082  }
0x22: {  	[simem:s7], [sflag:s8] =	dma.local @!p0 [hbm:s6], $0xF7A  }
0x23: {  	s9 =	sor.u32 $0xD0000000, s2;
	s6 =	simm.s32 $0x108;
	_ =	swait.ge @!p0 [sflag:s8], $0x0  }
0x24: {  	s3 =	sadd.s32 $0x88, s3;
	s6 =	simm.s32 @!p1 $0x1082;
	[sflag:s4] =	ssyncset.s32 $0xFFFFF086  }
0x25: {  	[simem:s6], [sflag:s4] =	dma.local [hbm:s3], $0xF7A  }
0x26: {  	[smem:$0x3F9A] =	sst s1;
	(tag) =	ssettag s2;
	_ =	strace s9  }
0x27: {  	s1 =	sld [smem:$0x3FAA]  }
0x28: {  	s2 =	sld [smem:$0x3FAB]  }
0x29: {  	s4 =	sld [smem:$0x3FAD]  }
0x2a: {  	p0 =	seq.s32 s5, $0x0;
	s5 =	sld [smem:$0x3FAE]  }
0x2b: {  	s6 =	sld [smem:$0x3FAF]  }
0x2c: {  	s7 =	sld [smem:$0x3FB0]  }
0x2d: {  	s3 =	simm.s32 $0x108;
	s8 =	sld [smem:$0x3FB1]  }
0x2e: {  	s3 =	simm.s32 @!p0 $0x1082;
	s9 =	sld [smem:$0x3FB2]  }
0x2f: {  	lr =	sadd.s32 s0, s3;
	s0 =	sld [smem:$0x3FA9]  }
0x30: {  	s3 =	sld [smem:$0x3FAC]  }
0x31: {  	[smem:$0x3FB5] =	sst s10  }
0x32: {  	s10 =	sld [smem:$0x3FB3];
	_ =	sdelay $0x3  }
0x33: {  	p0 =	seq.s32 s10, $0x1;
	s10 =	sld [smem:$0x3FB5];
	_ =	sdelay $0x3  }
0x34: {  	[smem:$0x3FB5] =	sst s10  }
0x35: {  	s10 =	sld [smem:$0x3FB4];
	_ =	sdelay $0x3  }
0x36: {  	p1 =	seq.s32 s10, $0x1;
	s10 =	sld [smem:$0x3FB5];
	_ =	sdelay $0x3  }
0x37: {  	[smem:$0x3FB5] =	sst s10  }
0x38: {  	s10 =	sld [smem:$0x3FB6]  }
0x39: {  	_ = 	snop;
	(pc) =	sbr.ind lr, $3  }
0x3a: {  	_ = 	snop  }
0x3b: {  	_ = 	snop  }
0x3c: {  	p2 =	seq.s32 s10, $0x1;
	s10 =	sld [smem:$0x3FB5]  }
0x3d: {  	_ =	shalt  }
0x3e: {  	_ =	shalt  }
0x3f: {  	_ =	shalt  }
0x40: {  	_ =	shalt  }
0x41: {  	_ =	shalt  }
0x42: {  	_ =	shalt  }
0x43: {  	_ =	shalt  }
0x44: {  	_ =	shalt  }
0x45: {  	_ =	shalt  }
0x46: {  	_ =	shalt  }
0x47: {  	_ =	shalt  }
0x48: {  	_ =	shalt  }
0x49: {  	_ =	shalt  }
0x4a: {  	_ =	shalt  }
0x4b: {  	_ =	shalt  }
0x4c: {  	_ =	shalt  }
0x4d: {  	_ =	shalt  }
0x4e: {  	_ =	shalt  }
0x4f: {  	_ =	shalt  }
0x50: {  	_ =	shalt  }
0x51: {  	_ =	shalt  }
0x52: {  	_ =	shalt  }
0x53: {  	_ =	shalt  }
0x54: {  	_ =	shalt  }
0x55: {  	_ =	shalt  }
0x56: {  	_ =	shalt  }
0x57: {  	_ =	shalt  }
0x58: {  	_ =	shalt  }
0x59: {  	_ =	shalt  }
0x5a: {  	_ =	shalt  }
0x5b: {  	_ =	shalt  }
0x5c: {  	_ =	shalt  }
0x5d: {  	_ =	shalt  }
0x5e: {  	_ =	shalt  }
0x5f: {  	_ =	shalt  }
0x60: {  	_ =	shalt  }
0x61: {  	_ =	shalt  }
0x62: {  	_ =	shalt  }
0x63: {  	_ =	shalt  }
0x64: {  	_ =	shalt  }
0x65: {  	_ =	shalt  }
0x66: {  	_ =	shalt  }
0x67: {  	_ =	shalt  }
0x68: {  	_ =	shalt  }
0x69: {  	_ =	shalt  }
0x6a: {  	_ =	shalt  }
0x6b: {  	_ =	shalt  }
0x6c: {  	_ =	shalt  }
0x6d: {  	_ =	shalt  }
0x6e: {  	_ =	shalt  }
0x6f: {  	_ =	shalt  }
0x70: {  	_ =	shalt  }
0x71: {  	_ =	shalt  }
0x72: {  	_ =	shalt  }
0x73: {  	_ =	shalt  }
0x74: {  	_ =	shalt  }
0x75: {  	_ =	shalt  }
0x76: {  	_ =	shalt  }
0x77: {  	_ =	shalt  }
0x78: {  	_ =	shalt  }
0x79: {  	_ =	shalt  }
0x7a: {  	_ =	shalt  }
0x7b: {  	_ =	shalt  }
0x7c: {  	_ =	shalt  }
0x7d: {  	_ =	shalt  }
0x7e: {  	_ =	shalt  }
0x7f: {  	_ =	shalt  }
0x80: {  	_ =	shalt  }
0x81: {  	_ =	shalt  }
0x82: {  	_ =	shalt  }
0x83: {  	_ =	shalt  }
0x84: {  	_ =	shalt  }
0x85: {  	_ =	shalt  }
0x86: {  	_ =	shalt  }
0x87: {  	_ =	shalt  }
.Lfunc_end0:
.L_simem_size_0:
called_computation_lowered:
.L_overlay_start_0:
0x88: {  	s2 =	sld [smem:$0x3FD9]  }
0x89: {  	s3 =	sld [smem:$0x3FFE];
	_ =	sdelay $0x1  }
0x8a: {  	s1 =	srdreg.scid  }
0x8b: {  	s0 =	sand.u32 $0x1, s1  }
0x8c: {  	s17 =	sshll.u32 s0, $0xA;
	s2 =	sadd.s32 s3, s2  }
0x8d: {  	s2 =	sadd.s32 s2, s17  }
0x8e: {  	[smem:$0x3FC1] =	sst s2  }
0x8f: {  	_ = 	snop  }
0x90: {  	s2 =	sld [smem:$0x3FC9]  }
0x91: {  	s18 =	sld [smem:$0x3FC8]  }
0x92: {  	s4 =	sld [smem:$0x3FD0];
	(tm) =	ssettm $0x1  }
0x93: {  	s5 =	sld [smem:$0x3FFB];
	_ =	sdelay $0x3  }
0x94: {  	_ =	strace s5  }
0x95: {  	s5 =	sld [smem:$0x3FFC];
	_ =	sdelay $0x3  }
0x96: {  	_ =	strace s5  }
0x97: {  	s5 =	sld [smem:$0x3FFD];
	_ =	sdelay $0x3  }
0x98: {  	_ =	strace s5  }
0x99: {  	_ =	strace $0x8FFFFFFF  }
0x9a: {  	s19 =	sld [smem:$0x3FDB];
	_ =	sdelay $0x1  }
0x9b: {  	s6 =	simm.s32 $_scs_section_size  }
0x9c: {  	s7 =	simm.s32 $_size__tile_overlayer_lowered;
	s8 =	simm.s32 $_tile_overlayer_lowered  }
0x9d: {  	s22 =	simm.s32 $0x1BFF;
	s21 =	sshll.u32 s8, $0x1;
	s5 =	sadd.s32 s6, s19  }
0x9e: {  	s9 =	simm.s32 $0x0;
	s20 =	sshll.u32 s7, $0x1;
	s7 =	sadd.s32 s21, s5  }
0x9f: {  	[timem:s9], [sflag:s22] =	dma.local [hbm:s7], s20  }
0xa0: {  	_ =	swait.ge [sflag:s22], s20  }
0xa1: {  	s6 =	ssub.s32 $0x0, s20;
	[sflag:s22] =	ssyncset.done $0x0  }
0xa2: {  	[sflag:s22] =	ssyncadd.s32 s6;
	_ =	sdelay $0x1  }
0xa3: {  	s23 =	simm.s32 $0x1B8B  }
0xa4: {  	_ =	swait.ge [sflag:s23], $0x1  }
0xa5: {  	[sflag:s23] =	ssyncset.done $0x0  }
0xa6: {  	s25 =	simm.s32 $0x1B8E;
	s24 =	sld [smem:$0x3FFE];
	[sflag:s23] =	ssyncadd.s32 $0xFFFFFFFF  }
0xa7: {  	s26 =	simm.s32 $execute0_lowered;
	[smem:$0x3FD2] =	sst s25  }
0xa8: {  	s7 =	sshll.u32 s26, $0x1;
	_ =	strace $0x80000046;
	[dreg:$0x1] =	wrdreg $0xFFFFFFFF  }
0xa9: {  	s28 =	simm.s32 $_size_execute0_lowered;
	s5 =	sadd.s32 s5, s7;
	[dreg:$0x0] =	wrdreg $0x0  }
0xaa: {  	s7 =	sshll.u32 s28, $0x1;
	[dreg:$0x2] =	wrdreg s5  }
0xab: {  	[dreg:$0x3] =	wrdreg s7  }
0xac: {  	[dreg:$0x4] =	wrdreg $0xC0  }
0xad: {  	_ =	task [dreg:s9], $0x5FFFF  }
0xae: {  	[dreg:$0x1] =	wrdreg $0xFFFFFFFF  }
0xaf: {  	[dreg:$0x0] =	wrdreg $0x60  }
0xb0: {  	[dreg:$0x2] =	wrdreg s2  }
0xb1: {  	[dreg:$0x3] =	wrdreg s18  }
0xb2: {  	[dreg:$0x4] =	wrdreg s24  }
0xb3: {  	[dreg:$0x5] =	wrdreg s4  }
0xb4: {  	[dreg:$0x6] =	wrdreg $0x9  }
0xb5: {  	_ =	task.clear_ibuf [dreg:s9], $0x7FFFF;
	_ =	strace $0x90000046  }
0xb6: {  	s29 =	simm.s32 $0x9;
	_ =	strace $0x80000048  }
0xb7: {  	_ =	swait.ge [sflag:s29], $0x1  }
0xb8: {  	[sflag:s29] =	ssyncadd.s32 $0xFFFFFFFF  }
0xb9: {  	_ =	strace $0x90000048  }
0xba: {  	_ =	sfence  }
0xbb: {  	s30 =	sld [smem:$0x0];
	_ =	sdelay $0x2  }
0xbc: {  	s31 =	sshll.u32 s1, $0xD;
	s1 =	sshrl.u32 s1, $0x2  }
0xbd: {  	s3 =	sand.u32 $0x4000, s31;
	s1 =	sadd.s32 s1, s30  }
0xbe: {  	s0 =	sor.u32 s3, s0;
	s1 =	sshll.u32 s1, $0x11  }
0xbf: {  	s0 =	sor.u32 s1, s0  }
0xc0: {  	s0 =	sadd.s32 $0x8F2B, s0  }
0xc1: {  	[sflag:s0] =	ssyncadd.remote.s32 $0x1  }
0xc2: {  	_ =	sfence.sel $0xFFFF  }
0xc3: {  	[dreg:$0x0] =	wrdreg $0xFFFFFFFF;
	(pc) =	sbr.abs _section_cstart, $3  }
0xc4: {  	[dreg:$0x1] =	wrdreg $0xFFFFFFFF  }
0xc5: {  	_ =	task.clear_ibuf [dreg:s9], $0x2FFFF;
	_ =	strace $0x9FFFFFFF  }
0xc6: {  	(tm) =	ssettm $0x7FFFFFFF  }
0xc7: {  	_ =	shalt  }
tec
execute0_lowered:
.L_overlay_start_1:
0x0: {  	(tag) =	ssettag $0x1  }
0x1: {  	s0 =	rddreg [dreg:$0x0]  }
0x2: {  	s3 =	rddreg [dreg:$0x1]  }
0x3: {  	s1 =	rddreg [dreg:$0x2]  }
0x4: {  	s10 =	rddreg [dreg:$0x3]  }
0x5: {  	s2 =	simm.s32 $0x0;
	s7 =	srdreg.scid;
	s9 =	stileid.u32  }
0x6: {  	s13 =	simm.s32 $0x200;
	s17 =	simm.s32 $0x4000;
	s18 =	simm.s32 $0x400  }
0x7: {  	s19 =	simm.s32 $0x8400;
	s20 =	simm.s32 $0x4400;
	s21 =	simm.s32 $0x10400  }
0x8: {  	s22 =	simm.s32 $0x1;
	s23 =	simm.s32 $0xC400;
	s24 =	simm.s32 $0x14400  }
0x9: {  	s25 =	simm.s32 $0x2;
	s26 =	simm.s32 $0x18810;
	[smem:$0x7FF] =	sst s2  }
0xa: {  	s28 =	simm.s32 $0x0;
	s4 =	sadd.s32 $0x7A1200, s1;
	s5 =	sadd.s32 $0xF60E00, s1  }
0xb: {  	s6 =	sadd.s32 $0xF42400, s1;
	s7 =	sand.u32 $0x1, s7;
	s9 =	sshll.u32 s9, $0x7  }
0xc: {  	_ =	strace $0x80000047;
	s8 =	ssub.s32 $0x2, s7;
	s11 =	sshll.u32 s7, $0x6  }
0xd: {  	s7 =	sadd.s32 $0xF7F800, s1;
	s12 =	sshrl.u32 s8, $0x1;
	s11 =	sor.u32 s11, s9  }
0xe: {  	s12 =	ssub.s32 s8, s12;
	s8 =	sadd.s32 s0, s11;
	s9 =	sadd.s32 s3, s11  }
0xf: {  	s10 =	sadd.s32 s10, s11;
	s11 =	smax.u32 s12, $0x1;
	s12 =	simm.s32 $0x3  }
.LBB2_1:
0x10: {  	[tilespmem:s2], [sflag:$0x3] =	stream.linear.gather [hbm4b:s8+s2], $0x200, $0x38;
	[tilespmem:$0x18A10] =	vst v63  }
0x11: {  	_ =	swait.ge [sflag:s12], $0x200  }
0x12: {  	[sflag:s12] =	ssyncset.done $0x0  }
0x13: {  	[sflag:s12] =	ssyncadd.s32 $0xFFFFFE00  }
0x14: {  	[tilespmem:s13], [sflag:$0x3] =	stream.linear.gather [hbm4b:s9+s2], $0x200, $0x38;
	[tilespmem:$0x18A10] =	vst v63  }
0x15: {  	_ =	swait.ge [sflag:s12], $0x200  }
0x16: {  	[sflag:s12] =	ssyncset.done $0x0  }
0x17: {  	s0 =	simm.s32 $0x18800;
	[sflag:s12] =	ssyncadd.s32 $0xFFFFFE00  }
0x18: {  	[tilespmem:s0], [sflag:$0x3] =	stream.linear.gather [hbm4b:s7+s2], $0x10, $0x38;
	[tilespmem:$0x18A10] =	vst v63  }
0x19: {  	_ =	swait.ge [sflag:s12], $0x10  }
0x1a: {  	[sflag:s12] =	ssyncset.done $0x0  }
0x1b: {  	s30 =	simm.s32 $0x18400;
	[sflag:s12] =	ssyncadd.s32 $0xFFFFFFF0  }
0x1c: {  	[tilespmem:s30], [sflag:$0x2] =	stream.indirect.gather [hbm4b:s5+s13], $0x1, s2, s13, $0xb8;
	[tilespmem:$0x18A10] =	vst v63  }
0x1d: {  	s31 =	simm.s32 $0x18600;
	s29 =	simm.s32 $0x0;
	s0 =	simm.s32 $0x800  }
0x1e: {  	[tilespmem:s31], [sflag:$0x2] =	stream.indirect.gather [hbm4b:s6+s13], $0x1, s13, s13, $0xb8;
	[tilespmem:$0x18A10] =	vst v63  }
.LBB2_2:
0x1f: {  	s3 =	sshll.u32 s29, $0x4  }
0x20: {  	v0 =	vld [tilespmem:s3+$0x0];
	_ =	sdelay $0x3  }
0x21: {  	s31 =	simm.s32 $0x6ACFC0  }
0x22: {  	s14 =	simm.s32 $0xF4240;
	v1 =	vadd.s32 s31, v0  }
0x23: {  	s30 =	simm.s32 $0x4C4B40;
	v2 =	vadd.s32 s14, v0;
	[tilespmem:s0+$0x300] =	vst v1  }
0x24: {  	s14 =	simm.s32 $0x1E8480;
	v3 =	vadd.s32 s30, v0;
	[tilespmem:s0+$0xFFFFFD00] =	vst v2  }
0x25: {  	s15 =	simm.s32 $0x2DC6C0;
	v1 =	vadd.s32 s14, v0;
	[tilespmem:s0+$0x100] =	vst v3  }
0x26: {  	s16 =	simm.s32 $0x3D0900;
	v2 =	vadd.s32 s15, v0;
	[tilespmem:s0+$0xFFFFFE00] =	vst v1  }
0x27: {  	s31 =	simm.s32 $0x0;
	s15 =	simm.s32 $0x5B8D80;
	v1 =	vadd.s32 s16, v0;
	[tilespmem:s0+$0xFFFFFF00] =	vst v2  }
0x28: {  	s3 =	smov.u32 s0;
	s14 =	simm.s32 $0x0;
	v2 =	vadd.s32 s15, v0;
	s15 =	simm.s32 $0x7A1200;
	[tilespmem:s0+$0x0] =	vst v1;
	v1 =	vadd.s32 s31, v0  }
.LBB2_3:
0x29: {  	s30 =	sadd.s32 $0xF4240, s15  }
0x2a: {  	v3 =	vadd.s32 s15, v0;
	s31 =	sadd.s32 $0x6ACFC0, s15;
	s14 =	sadd.s32 $0x8, s14;
	[tilespmem:s3+$0x200] =	vst v2;
	v2 =	vadd.s32 s30, v0;
	s30 =	sadd.s32 $0x1E8480, s15  }
0x2b: {  	v4 =	vadd.s32 s31, v0;
	p0 =	slt.u32 s14, $0x38;
	[tilespmem:s3+$0xFFFFFC00] =	vst v1;
	s3 =	sadd.s32 $0x800, s3;
	v1 =	vmov v3;
	s31 =	sadd.s32 $0x3D0900, s15  }
0x2c: {  	v3 =	vadd.s32 s30, v0;
	s30 =	sadd.s32 $0x2DC6C0, s15;
	[tilespmem:s3+$0x300] =	vst v4;
	v5 =	vadd.s32 s31, v0;
	s31 =	sadd.s32 $0x5B8D80, s15  }
.Ltmp0:
0x2d: {  	[tilespmem:s3+$0xFFFFFD00] =	vst v2;
	v4 =	vadd.s32 s30, v0;
	s30 =	sadd.s32 $0x4C4B40, s15;
	(pc) =	sbr.rel @p0 .LBB2_3-.Ltmp0, $4  }
0x2e: {  	v2 =	vadd.s32 s31, v0;
	[tilespmem:s3+$0xFFFFFE00] =	vst v3;
	v3 =	vadd.s32 s30, v0  }
0x2f: {  	[tilespmem:s3+$0xFFFFFF00] =	vst v4  }
0x30: {  	[tilespmem:s3+$0x0] =	vst v5  }
0x31: {  	s15 =	sadd.s32 $0x7A1200, s15;
	[tilespmem:s3+$0x100] =	vst v3  }
0x32: {  	s29 =	sadd.s32 $0x1, s29  }
0x33: {  	p0 =	sne.s32 s29, $0x10  }
.Ltmp1:
0x34: {  	_ = 	snop;
	(pc) =	sbr.rel @p0 .LBB2_2-.Ltmp1, $3  }
0x35: {  	_ =	sdelay $0x1  }
0x36: {  	[tilespmem:s3+$0x200] =	vst v2  }
0x37: {  	[tilespmem:s3+$0xFFFFFC00] =	vst v1;
	s0 =	sadd.s32 $0x10, s0  }
0x38: {  	s0 =	simm.s32 $0x0;
	s29 =	simm.s32 $0x4800;
	s30 =	simm.s32 $0x0  }
.LBB2_6:
0x39: {  	s3 =	sshll.u32 s30, $0x4  }
0x3a: {  	v0 =	vld [tilespmem:s3+$0x200];
	_ =	sdelay $0x3  }
0x3b: {  	s31 =	simm.s32 $0x6ACFC0  }
0x3c: {  	s14 =	simm.s32 $0xF4240;
	v1 =	vadd.s32 s31, v0  }
0x3d: {  	v2 =	vadd.s32 s14, v0;
	s14 =	simm.s32 $0x1E8480;
	[tilespmem:s29+$0x300] =	vst v1  }
0x3e: {  	s15 =	simm.s32 $0x2DC6C0;
	v1 =	vadd.s32 s14, v0;
	[tilespmem:s29+$0xFFFFFD00] =	vst v2  }
0x3f: {  	s31 =	simm.s32 $0x4C4B40;
	v2 =	vadd.s32 s15, v0;
	[tilespmem:s29+$0xFFFFFE00] =	vst v1  }
0x40: {  	s16 =	simm.s32 $0x3D0900;
	v3 =	vadd.s32 s31, v0;
	[tilespmem:s29+$0xFFFFFF00] =	vst v2  }
0x41: {  	s15 =	simm.s32 $0x5B8D80;
	v1 =	vadd.s32 s16, v0;
	[tilespmem:s29+$0x100] =	vst v3  }
0x42: {  	s3 =	smov.u32 s29;
	s14 =	simm.s32 $0x0;
	v2 =	vadd.s32 s15, v0;
	s15 =	simm.s32 $0x7A1200;
	[tilespmem:s29+$0x0] =	vst v1;
	v1 =	vadd.s32 s0, v0  }
.LBB2_7:
0x43: {  	s31 =	sadd.s32 $0xF4240, s15  }
0x44: {  	v3 =	vadd.s32 s15, v0;
	s16 =	sadd.s32 $0x6ACFC0, s15;
	s14 =	sadd.s32 $0x8, s14;
	[tilespmem:s3+$0x200] =	vst v2;
	v2 =	vadd.s32 s31, v0;
	s31 =	sadd.s32 $0x1E8480, s15  }
0x45: {  	v4 =	vadd.s32 s16, v0;
	p0 =	slt.u32 s14, $0x38;
	[tilespmem:s3+$0xFFFFFC00] =	vst v1;
	s3 =	sadd.s32 $0x800, s3;
	v1 =	vmov v3;
	s16 =	sadd.s32 $0x2DC6C0, s15  }
0x46: {  	v3 =	vadd.s32 s31, v0;
	s31 =	sadd.s32 $0x3D0900, s15;
	[tilespmem:s3+$0x300] =	vst v4;
	v4 =	vadd.s32 s16, v0;
	s16 =	sadd.s32 $0x4C4B40, s15  }
.Ltmp2:
0x47: {  	[tilespmem:s3+$0xFFFFFD00] =	vst v2;
	v5 =	vadd.s32 s31, v0;
	s31 =	sadd.s32 $0x5B8D80, s15;
	(pc) =	sbr.rel @p0 .LBB2_7-.Ltmp2, $4  }
0x48: {  	[tilespmem:s3+$0xFFFFFE00] =	vst v3;
	v3 =	vadd.s32 s16, v0;
	v2 =	vadd.s32 s31, v0  }
0x49: {  	[tilespmem:s3+$0xFFFFFF00] =	vst v4  }
0x4a: {  	[tilespmem:s3+$0x0] =	vst v5  }
0x4b: {  	s15 =	sadd.s32 $0x7A1200, s15;
	[tilespmem:s3+$0x100] =	vst v3  }
0x4c: {  	s30 =	sadd.s32 $0x1, s30  }
0x4d: {  	p0 =	sne.s32 s30, $0x10  }
.Ltmp3:
0x4e: {  	_ = 	snop;
	(pc) =	sbr.rel @p0 .LBB2_6-.Ltmp3, $3  }
0x4f: {  	_ =	sdelay $0x1  }
0x50: {  	[tilespmem:s3+$0x200] =	vst v2  }
0x51: {  	[tilespmem:s3+$0xFFFFFC00] =	vst v1;
	s29 =	sadd.s32 $0x10, s29  }
0x52: {  	[tilespmem:s19], [sflag:$0x1] =	stream.indirect.gather [hbm4b:s4+s17], $0x1, s18, s17, $0xb8;
	[tilespmem:$0x18A10] =	vst v63  }
0x53: {  	_ = 	snop  }
0x54: {  	[tilespmem:s21], [sflag:$0x1] =	stream.indirect.gather [hbm4b:s1+s17], $0x1, s20, s17, $0xb8;
	[tilespmem:$0x18A10] =	vst v63  }
0x55: {  	_ =	swait.ge [sflag:s22], $0x4000  }
0x56: {  	[sflag:s22] =	ssyncset.done $0x0  }
0x57: {  	[sflag:s22] =	ssyncadd.s32 $0xFFFFC000  }
0x58: {  	_ =	swait.ge [sflag:s22], $0x4000  }
0x59: {  	s0 =	simm.s32 $0x0;
	[sflag:s22] =	ssyncset.done $0x0  }
0x5a: {  	s29 =	simm.s32 $0x800;
	s30 =	simm.s32 $0x0;
	[sflag:s22] =	ssyncadd.s32 $0xFFFFC000  }
.LBB2_10:
0x5b: {  	s3 =	sshll.u32 s30, $0x4  }
0x5c: {  	v0 =	vld [tilespmem:s3+$0x100];
	_ =	sdelay $0x3  }
0x5d: {  	s31 =	simm.s32 $0x6ACFC0  }
0x5e: {  	s14 =	simm.s32 $0xF4240;
	v1 =	vadd.s32 s31, v0  }
0x5f: {  	v2 =	vadd.s32 s14, v0;
	s14 =	simm.s32 $0x1E8480;
	[tilespmem:s29+$0x300] =	vst v1  }
0x60: {  	s15 =	simm.s32 $0x2DC6C0;
	v1 =	vadd.s32 s14, v0;
	[tilespmem:s29+$0xFFFFFD00] =	vst v2  }
0x61: {  	s31 =	simm.s32 $0x4C4B40;
	v2 =	vadd.s32 s15, v0;
	[tilespmem:s29+$0xFFFFFE00] =	vst v1  }
0x62: {  	s16 =	simm.s32 $0x3D0900;
	v3 =	vadd.s32 s31, v0;
	[tilespmem:s29+$0xFFFFFF00] =	vst v2  }
0x63: {  	s15 =	simm.s32 $0x5B8D80;
	v1 =	vadd.s32 s16, v0;
	[tilespmem:s29+$0x100] =	vst v3  }
0x64: {  	s3 =	smov.u32 s29;
	s14 =	simm.s32 $0x0;
	v2 =	vadd.s32 s15, v0;
	s15 =	simm.s32 $0x7A1200;
	[tilespmem:s29+$0x0] =	vst v1;
	v1 =	vadd.s32 s0, v0  }
.LBB2_11:
0x65: {  	s16 =	sadd.s32 $0xF4240, s15  }
0x66: {  	v3 =	vadd.s32 s15, v0;
	s31 =	sadd.s32 $0x6ACFC0, s15;
	s14 =	sadd.s32 $0x8, s14;
	[tilespmem:s3+$0x200] =	vst v2;
	v2 =	vadd.s32 s16, v0;
	s16 =	sadd.s32 $0x1E8480, s15  }
0x67: {  	v4 =	vadd.s32 s31, v0;
	p0 =	slt.u32 s14, $0x38;
	[tilespmem:s3+$0xFFFFFC00] =	vst v1;
	s3 =	sadd.s32 $0x800, s3;
	v1 =	vmov v3;
	s31 =	sadd.s32 $0x3D0900, s15  }
0x68: {  	v3 =	vadd.s32 s16, v0;
	s16 =	sadd.s32 $0x2DC6C0, s15;
	[tilespmem:s3+$0x300] =	vst v4;
	v5 =	vadd.s32 s31, v0;
	s31 =	sadd.s32 $0x5B8D80, s15  }
.Ltmp4:
0x69: {  	[tilespmem:s3+$0xFFFFFD00] =	vst v2;
	v4 =	vadd.s32 s16, v0;
	s16 =	sadd.s32 $0x4C4B40, s15;
	(pc) =	sbr.rel @p0 .LBB2_11-.Ltmp4, $4  }
0x6a: {  	v2 =	vadd.s32 s31, v0;
	[tilespmem:s3+$0xFFFFFE00] =	vst v3;
	v3 =	vadd.s32 s16, v0  }
0x6b: {  	[tilespmem:s3+$0xFFFFFF00] =	vst v4  }
0x6c: {  	[tilespmem:s3+$0x0] =	vst v5  }
0x6d: {  	s15 =	sadd.s32 $0x7A1200, s15;
	[tilespmem:s3+$0x100] =	vst v3  }
0x6e: {  	s30 =	sadd.s32 $0x1, s30  }
0x6f: {  	p0 =	sne.s32 s30, $0x10  }
.Ltmp5:
0x70: {  	_ = 	snop;
	(pc) =	sbr.rel @p0 .LBB2_10-.Ltmp5, $3  }
0x71: {  	_ =	sdelay $0x1  }
0x72: {  	[tilespmem:s3+$0x200] =	vst v2  }
0x73: {  	[tilespmem:s3+$0xFFFFFC00] =	vst v1;
	s29 =	sadd.s32 $0x10, s29  }
0x74: {  	s0 =	simm.s32 $0x0;
	s29 =	simm.s32 $0x4800;
	s30 =	simm.s32 $0x0  }
.LBB2_14:
0x75: {  	s3 =	sshll.u32 s30, $0x4  }
0x76: {  	v0 =	vld [tilespmem:s3+$0x300];
	_ =	sdelay $0x3  }
0x77: {  	s31 =	simm.s32 $0x6ACFC0  }
0x78: {  	s14 =	simm.s32 $0xF4240;
	v1 =	vadd.s32 s31, v0  }
0x79: {  	v2 =	vadd.s32 s14, v0;
	s14 =	simm.s32 $0x1E8480;
	[tilespmem:s29+$0x300] =	vst v1  }
0x7a: {  	s15 =	simm.s32 $0x2DC6C0;
	v1 =	vadd.s32 s14, v0;
	[tilespmem:s29+$0xFFFFFD00] =	vst v2  }
0x7b: {  	s31 =	simm.s32 $0x4C4B40;
	v2 =	vadd.s32 s15, v0;
	[tilespmem:s29+$0xFFFFFE00] =	vst v1  }
0x7c: {  	s16 =	simm.s32 $0x3D0900;
	v3 =	vadd.s32 s31, v0;
	[tilespmem:s29+$0xFFFFFF00] =	vst v2  }
0x7d: {  	s15 =	simm.s32 $0x5B8D80;
	v1 =	vadd.s32 s16, v0;
	[tilespmem:s29+$0x100] =	vst v3  }
0x7e: {  	s3 =	smov.u32 s29;
	s14 =	simm.s32 $0x0;
	v2 =	vadd.s32 s15, v0;
	s15 =	simm.s32 $0x7A1200;
	[tilespmem:s29+$0x0] =	vst v1;
	v1 =	vadd.s32 s0, v0  }
.LBB2_15:
0x7f: {  	s16 =	sadd.s32 $0xF4240, s15  }
0x80: {  	v3 =	vadd.s32 s15, v0;
	s31 =	sadd.s32 $0x6ACFC0, s15;
	s14 =	sadd.s32 $0x8, s14;
	[tilespmem:s3+$0x200] =	vst v2;
	v2 =	vadd.s32 s16, v0;
	s16 =	sadd.s32 $0x1E8480, s15  }
0x81: {  	v4 =	vadd.s32 s31, v0;
	p0 =	slt.u32 s14, $0x38;
	[tilespmem:s3+$0xFFFFFC00] =	vst v1;
	s3 =	sadd.s32 $0x800, s3;
	v1 =	vmov v3;
	s31 =	sadd.s32 $0x3D0900, s15  }
0x82: {  	v3 =	vadd.s32 s16, v0;
	s16 =	sadd.s32 $0x2DC6C0, s15;
	[tilespmem:s3+$0x300] =	vst v4;
	v5 =	vadd.s32 s31, v0;
	s31 =	sadd.s32 $0x5B8D80, s15  }
.Ltmp6:
0x83: {  	[tilespmem:s3+$0xFFFFFD00] =	vst v2;
	v4 =	vadd.s32 s16, v0;
	s16 =	sadd.s32 $0x4C4B40, s15;
	(pc) =	sbr.rel @p0 .LBB2_15-.Ltmp6, $4  }
0x84: {  	v2 =	vadd.s32 s31, v0;
	[tilespmem:s3+$0xFFFFFE00] =	vst v3;
	v3 =	vadd.s32 s16, v0  }
0x85: {  	[tilespmem:s3+$0xFFFFFF00] =	vst v4  }
0x86: {  	[tilespmem:s3+$0x0] =	vst v5  }
0x87: {  	s15 =	sadd.s32 $0x7A1200, s15;
	[tilespmem:s3+$0x100] =	vst v3  }
0x88: {  	s30 =	sadd.s32 $0x1, s30  }
0x89: {  	p0 =	sne.s32 s30, $0x10  }
.Ltmp7:
0x8a: {  	_ = 	snop;
	(pc) =	sbr.rel @p0 .LBB2_14-.Ltmp7, $3  }
0x8b: {  	_ =	sdelay $0x1  }
0x8c: {  	[tilespmem:s3+$0x200] =	vst v2  }
0x8d: {  	[tilespmem:s3+$0xFFFFFC00] =	vst v1;
	s29 =	sadd.s32 $0x10, s29  }
0x8e: {  	[tilespmem:s23], [sflag:$0x1] =	stream.indirect.gather [hbm4b:s4+s17], $0x1, s18, s17, $0xb8;
	[tilespmem:$0x18A10] =	vst v63  }
0x8f: {  	_ = 	snop  }
0x90: {  	[tilespmem:s24], [sflag:$0x1] =	stream.indirect.gather [hbm4b:s1+s17], $0x1, s20, s17, $0xb8;
	[tilespmem:$0x18A10] =	vst v63  }
0x91: {  	_ =	swait.ge [sflag:s22], $0x4000  }
0x92: {  	[sflag:s22] =	ssyncset.done $0x0  }
0x93: {  	[sflag:s22] =	ssyncadd.s32 $0xFFFFC000  }
0x94: {  	_ =	swait.ge [sflag:s22], $0x4000  }
0x95: {  	[sflag:s22] =	ssyncset.done $0x0  }
0x96: {  	[sflag:s22] =	ssyncadd.s32 $0xFFFFC000  }
0x97: {  	_ =	swait.ge [sflag:s25], $0x200  }
0x98: {  	[sflag:s25] =	ssyncset.done $0x0  }
0x99: {  	[sflag:s25] =	ssyncadd.s32 $0xFFFFFE00  }
0x9a: {  	_ =	swait.ge [sflag:s25], $0x200  }
0x9b: {  	[sflag:s25] =	ssyncset.done $0x0  }
0x9c: {  	[sflag:s25] =	ssyncadd.s32 $0xFFFFFE00  }
0x9d: {  	s29 =	simm.s32 $0x0;
	s15 =	simm.s32 $0x10400;
	s31 =	simm.s32 $0x8400;
	v0 =	vld [tilespmem:$0x18800]  }
.LBB2_18:
0x9e: {  	s0 =	sshrl.u32 s29, $0x4  }
0x9f: {  	s0 =	smul.u32 $0xFC00, s0;
	_ =	sdelay $0x1  }
0xa0: {  	s0 =	sshra.s32 s0, $0x2  }
0xa1: {  	v1 =	vmov s0;
	_ =	sdelay $0x1  }
0xa2: {  	s0 =	sshll.u32 s29, $0x4  }
0xa3: {  	v2 =	vld [tilespmem:s0+$0x18400]  }
0xa4: {  	v3 =	vld [tilespmem:s0+$0x18600]  }
0xa5: {  	v4 =	vld.idx.msk [tilespmem:v1+s31+$0x0 ss:$0x1], $0xffff  }
0xa6: {  	v5 =	vld.idx.msk [tilespmem:v1+s15+$0x0 ss:$0x1], $0xffff  }
0xa7: {  	v6 =	vld.idx.msk [tilespmem:v1+s31+$0x100 ss:$0x1], $0xffff  }
0xa8: {  	v7 =	vld.idx.msk [tilespmem:v1+s15+$0x100 ss:$0x1], $0xffff  }
0xa9: {  	v8 =	vld.idx.msk [tilespmem:v1+s31+$0x200 ss:$0x1], $0xffff  }
0xaa: {  	v9 =	vld.idx.msk [tilespmem:v1+s15+$0x200 ss:$0x1], $0xffff;
	v2 =	vadd.f32 v2, v0  }
0xab: {  	v10 =	vld.idx.msk [tilespmem:v1+s31+$0x300 ss:$0x1], $0xffff  }
0xac: {  	v11 =	vld.idx.msk [tilespmem:v1+s31+$0x400 ss:$0x1], $0xffff;
	v2 =	vadd.f32 v3, v2;
	v3 =	vmul.f32 v5, v4  }
0xad: {  	v4 =	vld.idx.msk [tilespmem:v1+s15+$0x300 ss:$0x1], $0xffff  }
0xae: {  	v5 =	vmul.f32 v7, v6;
	v7 =	vld.idx.msk [tilespmem:v1+s15+$0x400 ss:$0x1], $0xffff;
	v3 =	vadd.f32 v3, v2  }
0xaf: {  	v2 =	vld.idx.msk [tilespmem:v1+s31+$0x500 ss:$0x1], $0xffff  }
0xb0: {  	v8 =	vmul.f32 v9, v8;
	v6 =	vadd.f32 v5, v3;
	v5 =	vld.idx.msk [tilespmem:v1+s15+$0x500 ss:$0x1], $0xffff  }
0xb1: {  	v3 =	vld.idx.msk [tilespmem:v1+s31+$0x600 ss:$0x1], $0xffff  }
0xb2: {  	v9 =	vmul.f32 v4, v10;
	v4 =	vld.idx.msk [tilespmem:v1+s31+$0x700 ss:$0x1], $0xffff;
	v8 =	vadd.f32 v8, v6  }
0xb3: {  	v6 =	vld.idx.msk [tilespmem:v1+s15+$0x600 ss:$0x1], $0xffff  }
0xb4: {  	s3 =	simm.s32 $0x0;
	s14 =	sadd.s32 $0x800, s31;
	s30 =	smov.u32 s15;
	v8 =	vadd.f32 v9, v8;
	v9 =	vmul.f32 v7, v11;
	v7 =	vld.idx.msk [tilespmem:v1+s15+$0x700 ss:$0x1], $0xffff  }
.LBB2_19:
0xb5: {  	v10 =	vld.idx.msk [tilespmem:v1+s14+$0x0 ss:$0x1], $0xffff;
	s30 =	sadd.s32 $0x800, s30  }
0xb6: {  	s3 =	sadd.s32 $0x8, s3;
	v2 =	vmul.f32 v5, v2;
	v11 =	vld.idx.msk [tilespmem:v1+s30+$0x0 ss:$0x1], $0xffff;
	v8 =	vadd.f32 v9, v8  }
0xb7: {  	p0 =	slt.u32 s3, $0x38;
	v5 =	vld.idx.msk [tilespmem:v1+s14+$0x100 ss:$0x1], $0xffff  }
0xb8: {  	v3 =	vmul.f32 v6, v3;
	v9 =	vld.idx.msk [tilespmem:v1+s30+$0x100 ss:$0x1], $0xffff;
	v2 =	vadd.f32 v2, v8  }
0xb9: {  	v6 =	vld.idx.msk [tilespmem:v1+s14+$0x200 ss:$0x1], $0xffff  }
0xba: {  	v8 =	vld.idx.msk [tilespmem:v1+s30+$0x200 ss:$0x1], $0xffff;
	v2 =	vadd.f32 v3, v2;
	v3 =	vmul.f32 v7, v4  }
0xbb: {  	v4 =	vld.idx.msk [tilespmem:v1+s14+$0x300 ss:$0x1], $0xffff  }
0xbc: {  	v7 =	vmul.f32 v11, v10;
	v10 =	vld.idx.msk [tilespmem:v1+s30+$0x300 ss:$0x1], $0xffff;
	v2 =	vadd.f32 v3, v2  }
0xbd: {  	v11 =	vld.idx.msk [tilespmem:v1+s14+$0x400 ss:$0x1], $0xffff  }
0xbe: {  	v5 =	vmul.f32 v9, v5;
	v3 =	vadd.f32 v7, v2;
	v7 =	vld.idx.msk [tilespmem:v1+s30+$0x400 ss:$0x1], $0xffff  }
0xbf: {  	v2 =	vld.idx.msk [tilespmem:v1+s14+$0x500 ss:$0x1], $0xffff  }
.Ltmp8:
0xc0: {  	v6 =	vmul.f32 v8, v6;
	v9 =	vadd.f32 v5, v3;
	v5 =	vld.idx.msk [tilespmem:v1+s30+$0x500 ss:$0x1], $0xffff;
	(pc) =	sbr.rel @p0 .LBB2_19-.Ltmp8, $4  }
0xc1: {  	v3 =	vld.idx.msk [tilespmem:v1+s14+$0x600 ss:$0x1], $0xffff  }
0xc2: {  	v8 =	vadd.f32 v6, v9;
	v9 =	vmul.f32 v10, v4;
	v6 =	vld.idx.msk [tilespmem:v1+s30+$0x600 ss:$0x1], $0xffff  }
0xc3: {  	v4 =	vld.idx.msk [tilespmem:v1+s14+$0x700 ss:$0x1], $0xffff  }
0xc4: {  	s14 =	sadd.s32 $0x800, s14;
	v8 =	vadd.f32 v9, v8;
	v9 =	vmul.f32 v7, v11;
	v7 =	vld.idx.msk [tilespmem:v1+s30+$0x700 ss:$0x1], $0xffff  }
0xc5: {  	_ = 	snop  }
0xc6: {  	v2 =	vmul.f32 v5, v2;
	v1 =	vadd.f32 v9, v8;
	_ =	sdelay $0x1  }
0xc7: {  	s29 =	sadd.s32 $0x1, s29;
	v1 =	vadd.f32 v2, v1;
	v2 =	vmul.f32 v6, v3  }
0xc8: {  	p0 =	sne.s32 s29, $0x20  }
.Ltmp9:
0xc9: {  	v1 =	vadd.f32 v2, v1;
	v2 =	vmul.f32 v7, v4;
	(pc) =	sbr.rel @p0 .LBB2_18-.Ltmp9, $3  }
0xca: {  	_ = 	snop  }
0xcb: {  	v1 =	vadd.f32 v2, v1;
	_ =	sdelay $0x1  }
0xcc: {  	s15 =	sadd.s32 $0x10, s15;
	s31 =	sadd.s32 $0x10, s31;
	[tilespmem:s0+$0x18810] =	vst v1  }
0xcd: {  	s28 =	sadd.s32 $0x1, s28  }
0xce: {  	p0 =	sne.s32 s28, s11  }
.Ltmp10:
0xcf: {  	_ = 	snop;
	(pc) =	sbr.rel @p0 .LBB2_1-.Ltmp10, $4  }
0xd0: {  	[hbm4b:s10+s2] =	stream.linear.scatter [tilespmem:s26], [sflag:$0x3], $0x200, $0x38;
	[tilespmem:$0x18A10] =	vst v63  }
0xd1: {  	_ =	swait.ge [sflag:s12], $0x200  }
0xd2: {  	[sflag:s12] =	ssyncset.done $0x0  }
0xd3: {  	[sflag:s12] =	ssyncadd.s32 $0xFFFFFE00  }
0xd4: {  	_ =	sfence.sel $0x180000  }
0xd5: {  	[bflag:$0x0] =	sbarrier.arrive $0xFFFF  }
0xd6: {  	_ =	strace $0x90000047  }
0xd7: {  	s0 =	stileid.u32;
	[bflag:$0x2] =	sbarrier.arrive $0xFFFF  }
0xd8: {  	p0 =	sne.s32 s0, $0x0;
	s0 =	rddreg [dreg:$0x4]  }
0xd9: {  	s0 =	sadd.s32 @!p0 $0x100000, s0  }
0xda: {  	[sflag:s0] =	ssyncadd.tile.s32 @!p0 $0x1;
	_ =	shalt  }
.Lfunc_end2:
_tile_overlayer_lowered:
.L_overlay_start_2:
0xdb: {  	(tag) =	ssettag $0x2  }
0xdc: {  	s0 =	rddreg [dreg:$0x0];
	s2 =	stileid.u32  }
0xdd: {  	s1 =	rddreg [dreg:$0x1];
	p0 =	sne.s32 s2, $0x0  }
0xde: {  	s3 =	rddreg [dreg:$0x2];
	[bflag:$0x3] =	sbarrier.arrive $0xFFFF;
	s2 =	simm.s32 @!p0 $0x1C03  }
0xdf: {  	[timem:s3], [sflag:s2] =	dma.local @!p0 [hbm:s0], s1  }
0xe0: {  	s0 =	simm.s32 @!p0 $0x3  }
0xe1: {  	_ =	swait.ge @!p0 [sflag:s0], s1  }
0xe2: {  	s1 =	ssub.s32 @!p0 $0x0, s1;
	[sflag:s0] =	ssyncset.done @!p0 $0x0  }
0xe3: {  	[sflag:s0] =	ssyncadd.s32 @!p0 s1  }
0xe4: {  	[bflag:$0x3] =	sbarrier.arrive $0xFFFF  }
0xe5: {  	_ =	shalt  }

</sc_bundles>
